<compile_context>
chip_gen: v7x
topology: tpu7x:2x2x1
jax: 0.10.2.dev20260603
libtpu: 0.0.44.dev20260713+nightly
codegen_flags: <defaults>
</compile_context>

<pallas_src>
import functools

import jax
import jax.numpy as jnp
from jax import lax
from jax.experimental import pallas as pl
from jax.experimental.pallas import tpu as pltpu
from jax.experimental.pallas import tpu_sc as plsc

B = 1
S = 2048
D = 768
H = 12
DH = D // H
E = 64
K = 2
FF = 512
G = 256
CAP = 128

BT = 256
NBLK = S // BT
NW = 32
SLOTS = E * CAP
DUMMY = SLOTS


def _qkv_body(x_ref, g_ref, b_ref, wq_ref, wk_ref, wv_ref, q_ref, k_ref, v_ref):
    x = x_ref[...]
    mu = jnp.mean(x, axis=1, keepdims=True)
    var = jnp.mean((x - mu) ** 2, axis=1, keepdims=True)
    xn = (x - mu) * lax.rsqrt(var + 1e-5) * g_ref[...] + b_ref[...]
    scale = 1.0 / (DH ** 0.5)
    q_ref[...] = jnp.dot(xn, wq_ref[...], preferred_element_type=jnp.float32) * scale
    k_ref[...] = jnp.dot(xn, wk_ref[...], preferred_element_type=jnp.float32)
    v_ref[...] = jnp.dot(xn, wv_ref[...], preferred_element_type=jnp.float32)


def _qkv(x, g, b, wq, wk, wv):
    blk = pl.BlockSpec((BT, D), lambda i: (i, 0))
    full = pl.BlockSpec((D, D), lambda i: (0, 0))
    vec = pl.BlockSpec((1, D), lambda i: (0, 0))
    return pl.pallas_call(
        _qkv_body,
        grid=(NBLK,),
        in_specs=[blk, vec, vec, full, full, full],
        out_specs=[blk, blk, blk],
        out_shape=[jax.ShapeDtypeStruct((S, D), jnp.float32)] * 3,
    )(x, g, b, wq, wk, wv)


def _attn_body(q_ref, k_ref, v_ref, o_ref):
    qi = pl.program_id(1)
    q = q_ref[0]

    def body(kj, carry):
        acc, m, l = carry
        kblk = k_ref[0, pl.ds(kj * BT, BT), :]
        vblk = v_ref[0, pl.ds(kj * BT, BT), :]
        s = lax.dot_general(q, kblk, (((1,), (1,)), ((), ())),
                            preferred_element_type=jnp.float32)
        ri = lax.broadcasted_iota(jnp.int32, (BT, BT), 0) + qi * BT
        ci = lax.broadcasted_iota(jnp.int32, (BT, BT), 1) + kj * BT
        s = jnp.where(ri >= ci, s, -1e9)
        mnew = jnp.maximum(m, jnp.max(s, axis=1, keepdims=True))
        p = jnp.exp(s - mnew)
        alpha = jnp.exp(m - mnew)
        l = l * alpha + jnp.sum(p, axis=1, keepdims=True)
        acc = acc * alpha + jnp.dot(p, vblk, preferred_element_type=jnp.float32)
        return acc, mnew, l

    acc0 = jnp.zeros((BT, DH), jnp.float32)
    m0 = jnp.full((BT, 1), -1e30, jnp.float32)
    l0 = jnp.zeros((BT, 1), jnp.float32)
    acc, m, l = lax.fori_loop(0, qi + 1, body, (acc0, m0, l0))
    o_ref[0] = acc / l


def _attention(q, k, v):
    qspec = pl.BlockSpec((1, BT, DH), lambda h, qi: (h, qi, 0))
    kvspec = pl.BlockSpec((1, S, DH), lambda h, qi: (h, 0, 0))
    return pl.pallas_call(
        _attn_body,
        grid=(H, NBLK),
        in_specs=[qspec, kvspec, kvspec],
        out_specs=qspec,
        out_shape=jax.ShapeDtypeStruct((H, S, DH), jnp.float32),
    )(q, k, v)


def _post_body(x_ref, ctx_ref, wo_ref, g_ref, b_ref, wg1_ref, wg2_ref,
               h1_ref, x2_ref, lg_ref):
    h1 = x_ref[...] + jnp.dot(ctx_ref[...], wo_ref[...],
                              preferred_element_type=jnp.float32)
    h1_ref[...] = h1
    mu = jnp.mean(h1, axis=1, keepdims=True)
    var = jnp.mean((h1 - mu) ** 2, axis=1, keepdims=True)
    x2 = (h1 - mu) * lax.rsqrt(var + 1e-5) * g_ref[...] + b_ref[...]
    x2_ref[...] = x2
    t = jnp.tanh(jnp.dot(x2, wg1_ref[...], preferred_element_type=jnp.float32))
    lg_ref[...] = lax.dot_general(wg2_ref[...], t, (((0,), (1,)), ((), ())),
                                  preferred_element_type=jnp.float32)


def _post_attn(x, ctx, wo, g, b, wg1, wg2):
    blk = pl.BlockSpec((BT, D), lambda i: (i, 0))
    return pl.pallas_call(
        _post_body,
        grid=(NBLK,),
        in_specs=[blk, blk,
                  pl.BlockSpec((D, D), lambda i: (0, 0)),
                  pl.BlockSpec((1, D), lambda i: (0, 0)),
                  pl.BlockSpec((1, D), lambda i: (0, 0)),
                  pl.BlockSpec((D, G), lambda i: (0, 0)),
                  pl.BlockSpec((G, E), lambda i: (0, 0))],
        out_specs=[blk, blk, pl.BlockSpec((E, BT), lambda i: (0, i))],
        out_shape=[jax.ShapeDtypeStruct((S, D), jnp.float32),
                   jax.ShapeDtypeStruct((S, D), jnp.float32),
                   jax.ShapeDtypeStruct((E, S), jnp.float32)],
    )(x, ctx, wo, g, b, wg1, wg2)


def _route_body(lg_ref, s1_ref, s2_ref, c1_ref, c2_ref, w1_ref, w2_ref,
                carry_ref):
    i = pl.program_id(0)

    @pl.when(i == 0)
    def _():
        carry_ref[...] = jnp.zeros_like(carry_ref)

    l = lg_ref[...]
    ei = lax.broadcasted_iota(jnp.int32, (E, BT), 0)
    m1 = jnp.max(l, axis=0, keepdims=True)
    idx1 = jnp.min(jnp.where(l == m1, ei, E), axis=0, keepdims=True)
    oh1 = (ei == idx1)
    lm = jnp.where(oh1, -1e30, l)
    m2 = jnp.max(lm, axis=0, keepdims=True)
    idx2 = jnp.min(jnp.where(lm == m2, ei, E), axis=0, keepdims=True)
    oh2 = (ei == idx2)

    d = jnp.exp(m2 - m1)
    g1 = 1.0 / (1.0 + d)
    g2 = d / (1.0 + d)

    ohs = oh1.astype(jnp.float32) + oh2.astype(jnp.float32)
    rj = lax.broadcasted_iota(jnp.int32, (BT, BT), 0)
    cjj = lax.broadcasted_iota(jnp.int32, (BT, BT), 1)
    u = (rj < cjj).astype(jnp.float32)
    cnt = jnp.dot(ohs, u, preferred_element_type=jnp.float32)
    carry = carry_ref[:, 0:1]
    tot = carry + cnt
    pos1 = jnp.sum(oh1.astype(jnp.float32) * tot, axis=0, keepdims=True)
    pos2 = jnp.sum(oh2.astype(jnp.float32) * tot, axis=0, keepdims=True)
    carry_ref[:, 0:1] = carry + jnp.sum(ohs, axis=1, keepdims=True)

    keep1 = pos1 < CAP
    keep2 = pos2 < CAP
    p1 = jnp.minimum(pos1, CAP - 1).astype(jnp.int32)
    p2 = jnp.minimum(pos2, CAP - 1).astype(jnp.int32)
    comb1 = idx1 * CAP + p1
    comb2 = idx2 * CAP + p2
    s1_ref[...] = jnp.where(keep1, comb1, DUMMY).reshape(1, 1, BT)
    s2_ref[...] = jnp.where(keep2, comb2, DUMMY).reshape(1, 1, BT)
    c1_ref[...] = comb1.reshape(1, 1, BT)
    c2_ref[...] = comb2.reshape(1, 1, BT)
    w1_ref[...] = (g1 * keep1.astype(jnp.float32)).reshape(1, 1, BT)
    w2_ref[...] = (g2 * keep2.astype(jnp.float32)).reshape(1, 1, BT)


def _route(logitsT):
    iblk = pl.BlockSpec((1, 1, BT), lambda i: (i, 0, 0))
    ishape = jax.ShapeDtypeStruct((NBLK, 1, BT), jnp.int32)
    fshape = jax.ShapeDtypeStruct((NBLK, 1, BT), jnp.float32)
    return pl.pallas_call(
        _route_body,
        grid=(NBLK,),
        in_specs=[pl.BlockSpec((E, BT), lambda i: (0, i))],
        out_specs=[iblk] * 4 + [iblk] * 2,
        out_shape=[ishape, ishape, ishape, ishape, fshape, fshape],
        scratch_shapes=[pltpu.VMEM((E, 128), jnp.float32)],
    )(logitsT)


def _dispatch_body(s1_hbm, s2_hbm, x2_hbm, out_hbm,
                   s1_v, s2_v, sm0_v, sm1_v, rows_v, sem):
    wid = lax.axis_index("s") * 2 + lax.axis_index("c")
    base = wid * 2 * CAP
    pltpu.sync_copy(s1_hbm, s1_v)
    pltpu.sync_copy(s2_hbm, s2_v)
    for j in range(CAP // 16):
        z = jnp.zeros((16,), jnp.int32)
        sm0_v[pl.ds(j * 16, 16)] = z
        sm1_v[pl.ds(j * 16, 16)] = z

    def body(j, _):
        tok = j * 16 + lax.iota(jnp.int32, 16)
        for sv in (s1_v, s2_v):
            slot = sv[pl.ds(j * 16, 16)]
            r0 = slot - base
            msk0 = (r0 >= 0) & (r0 < CAP)
            plsc.store_scatter(sm0_v, [jnp.clip(r0, 0, CAP - 1)], tok, mask=msk0)
            r1 = r0 - CAP
            msk1 = (r1 >= 0) & (r1 < CAP)
            plsc.store_scatter(sm1_v, [jnp.clip(r1, 0, CAP - 1)], tok, mask=msk1)
        return 0

    lax.fori_loop(0, (K * S) // 16 // K, body, 0)
    pltpu.async_copy(x2_hbm.at[sm0_v], rows_v, sem).wait()
    pltpu.sync_copy(rows_v, out_hbm.at[pl.ds(base, CAP)])
    pltpu.async_copy(x2_hbm.at[sm1_v], rows_v, sem).wait()
    pltpu.sync_copy(rows_v, out_hbm.at[pl.ds(base + CAP, CAP)])


def _dispatch(s1, s2, x2):
    mesh = plsc.VectorSubcoreMesh(core_axis_name="c", subcore_axis_name="s")
    f = pl.kernel(
        _dispatch_body,
        mesh=mesh,
        compiler_params=pltpu.CompilerParams(needs_layout_passes=False),
        out_type=jax.ShapeDtypeStruct((SLOTS, D), jnp.float32),
        scratch_types=[
            pltpu.VMEM((S,), jnp.int32),
            pltpu.VMEM((S,), jnp.int32),
            pltpu.VMEM((CAP,), jnp.int32),
            pltpu.VMEM((CAP,), jnp.int32),
            pltpu.VMEM((CAP, D), jnp.float32),
            pltpu.SemaphoreType.DMA,
        ],
    )
    return f(s1, s2, x2)


def _ffn_body(xin_ref, w1_ref, w2_ref, out_ref):
    x = xin_ref[0]
    h = jax.nn.gelu(jnp.dot(x, w1_ref[0], preferred_element_type=jnp.float32))
    out_ref[0] = jnp.dot(h, w2_ref[0], preferred_element_type=jnp.float32)


def _ffn(expert_in, w1, w2):
    return pl.pallas_call(
        _ffn_body,
        grid=(E,),
        in_specs=[pl.BlockSpec((1, CAP, D), lambda e: (e, 0, 0)),
                  pl.BlockSpec((1, D, FF), lambda e: (e, 0, 0)),
                  pl.BlockSpec((1, FF, D), lambda e: (e, 0, 0))],
        out_specs=pl.BlockSpec((1, CAP, D), lambda e: (e, 0, 0)),
        out_shape=jax.ShapeDtypeStruct((E, CAP, D), jnp.float32),
    )(expert_in, w1, w2)


def _combine_body(cidx_hbm, eo_hbm, out_hbm, cidx_v, rows_v, sem):
    wid = lax.axis_index("s") * 2 + lax.axis_index("c")
    n = (K * S) // NW
    base = wid * n
    pltpu.sync_copy(cidx_hbm.at[pl.ds(base, n)], cidx_v)
    pltpu.async_copy(eo_hbm.at[cidx_v], rows_v, sem).wait()
    pltpu.sync_copy(rows_v, out_hbm.at[pl.ds(base, n)])


def _combine(cidx, eo):
    n = (K * S) // NW
    mesh = plsc.VectorSubcoreMesh(core_axis_name="c", subcore_axis_name="s")
    f = pl.kernel(
        _combine_body,
        mesh=mesh,
        out_type=jax.ShapeDtypeStruct((K * S, D), jnp.float32),
        scratch_types=[
            pltpu.VMEM((n,), jnp.int32),
            pltpu.VMEM((n, D), jnp.float32),
            pltpu.SemaphoreType.DMA,
        ],
    )
    return f(cidx, eo)


def _final_body(h1_ref, y0_ref, y1_ref, w1_ref, w2_ref, o_ref):
    o_ref[...] = (h1_ref[...] + w1_ref[...] * y0_ref[0] + w2_ref[...] * y1_ref[0])


def _final(h1, yrep, w1, w2):
    blk = pl.BlockSpec((BT, D), lambda i: (i, 0))
    return pl.pallas_call(
        _final_body,
        grid=(NBLK,),
        in_specs=[blk,
                  pl.BlockSpec((1, BT, D), lambda i: (0, i, 0)),
                  pl.BlockSpec((1, BT, D), lambda i: (1, i, 0)),
                  pl.BlockSpec((BT, 1), lambda i: (i, 0)),
                  pl.BlockSpec((BT, 1), lambda i: (i, 0))],
        out_specs=blk,
        out_shape=jax.ShapeDtypeStruct((S, D), jnp.float32),
    )(h1, yrep, yrep, w1, w2)


def kernel(hidden_states, ln1_g, ln1_b, Wq, Wk, Wv, Wo, ln2_g, ln2_b,
           Wg1, Wg2, W1, W2):
    x = hidden_states.reshape(S, D)
    q, k, v = _qkv(x, ln1_g.reshape(1, D), ln1_b.reshape(1, D), Wq, Wk, Wv)
    qh, kh, vh = (a.reshape(S, H, DH).transpose(1, 0, 2) for a in (q, k, v))
    ctx = _attention(qh, kh, vh).transpose(1, 0, 2).reshape(S, D)
    h1, x2, logitsT = _post_attn(x, ctx, Wo, ln2_g.reshape(1, D),
                                 ln2_b.reshape(1, D), Wg1, Wg2)
    s1, s2, c1, c2, w1, w2 = _route(logitsT)
    s1 = s1.reshape(S)
    s2 = s2.reshape(S)
    cidx = jnp.concatenate([c1.reshape(S), c2.reshape(S)])
    expert_in = _dispatch(s1, s2, x2)
    eo = _ffn(expert_in.reshape(E, CAP, D), W1, W2)
    yrep = _combine(cidx, eo.reshape(SLOTS, D))
    out = _final(h1, yrep.reshape(2, S, D), w1.reshape(S, 1), w2.reshape(S, 1))
    return out.reshape(B, S, D)

# --- scband reference (transcript-rebuilt; emitter-appended) ---
"""Pipeline reference for scband-module-former-block-28922309771633 (READ-ONLY COPY).

The authoritative reference and input builder live on the scoring server;
editing this copy changes nothing except your own understanding.
"""

import jax, jax.numpy as jnp
import numpy as np

B = 1
S = 2048
D = 768
H = 12
DH = D // H
E = 64
K = 2
FF = 512
G = 256
CAP = 128  # capacity per expert = 2x average load (S*K/E = 64)


def setup_inputs(seed: int = 0):
    key = jax.random.key(seed)
    ks = jax.random.split(key, 12)

    def w(k, shape, scale=0.02):
        return jax.random.normal(k, shape, dtype=jnp.float32) * scale

    return {
        "hidden_states": jax.random.normal(ks[0], (B, S, D), dtype=jnp.float32),
        "ln1_g": jnp.ones((D,), jnp.float32),
        "ln1_b": jnp.zeros((D,), jnp.float32),
        "Wq": w(ks[1], (D, D)),
        "Wk": w(ks[2], (D, D)),
        "Wv": w(ks[3], (D, D)),
        "Wo": w(ks[4], (D, D)),
        "ln2_g": jnp.ones((D,), jnp.float32),
        "ln2_b": jnp.zeros((D,), jnp.float32),
        "Wg1": w(ks[5], (D, G)),
        "Wg2": w(ks[6], (G, E)),
        "W1": w(ks[7], (E, D, FF)),
        "W2": w(ks[8], (E, FF, D)),
    }


def _layernorm(x, g, b):
    mu = jnp.mean(x, axis=-1, keepdims=True)
    v = jnp.var(x, axis=-1, keepdims=True)
    return (x - mu) / jnp.sqrt(v + 1e-5) * g + b


def _block(hidden_states, ln1_g, ln1_b, Wq, Wk, Wv, Wo, ln2_g, ln2_b, Wg1, Wg2, W1, W2):
    # ---- attention branch (causal self-attention) ----
    x = _layernorm(hidden_states, ln1_g, ln1_b)
    q = (x @ Wq).reshape(B, S, H, DH).transpose(0, 2, 1, 3)
    k = (x @ Wk).reshape(B, S, H, DH).transpose(0, 2, 1, 3)
    v = (x @ Wv).reshape(B, S, H, DH).transpose(0, 2, 1, 3)
    scores = jnp.einsum('bhqd,bhkd->bhqk', q, k) / np.sqrt(DH).astype(np.float32)
    causal = jnp.tril(jnp.ones((S, S), dtype=bool))
    scores = jnp.where(causal[None, None], scores, jnp.float32(-1e9))
    attn = jax.nn.softmax(scores, axis=-1)
    ctx = jnp.einsum('bhqk,bhkd->bhqd', attn, v).transpose(0, 2, 1, 3).reshape(B, S, D)
    hidden_states = hidden_states + ctx @ Wo

    # ---- MoE MLP branch: mlp-gate -> top-k routing -> expert FFN -> combine ----
    x2 = _layernorm(hidden_states, ln2_g, ln2_b).reshape(B * S, D)
    logits = jnp.tanh(x2 @ Wg1) @ Wg2                      # [T, E]
    topv, topi = jax.lax.top_k(logits, K)                  # [T, K]
    gates = jax.nn.softmax(topv, axis=-1)                  # renormalized top-k gates
    eidx = topi.reshape(-1)                                # [T*K]
    gflat = gates.reshape(-1)                              # [T*K]
    oh = jax.nn.one_hot(eidx, E, dtype=jnp.int32)          # [T*K, E]
    pos = jnp.sum(jnp.cumsum(oh, axis=0) * oh, axis=1) - 1 # slot within expert buffer
    keep = (pos < CAP).astype(jnp.float32)
    posc = jnp.clip(pos, 0, CAP - 1)
    x_rep = jnp.repeat(x2, K, axis=0)                      # [T*K, D]
    expert_in = jnp.zeros((E, CAP, D), jnp.float32).at[eidx, posc].add(x_rep * keep[:, None])
    h = jax.nn.gelu(jnp.einsum('ecd,edf->ecf', expert_in, W1))
    eo = jnp.einsum('ecf,efd->ecd', h, W2)
    y_rep = eo[eidx, posc] * (keep * gflat)[:, None]
    y = y_rep.reshape(B * S, K, D).sum(axis=1)
    return hidden_states + y.reshape(B, S, D)


def reference(hidden_states, ln1_g, ln1_b, Wq, Wk, Wv, Wo, ln2_g, ln2_b, Wg1, Wg2, W1, W2):
    return _block(hidden_states, ln1_g, ln1_b, Wq, Wk, Wv, Wo, ln2_g, ln2_b, Wg1, Wg2, W1, W2)

if __name__ == "__main__":
    import jax
    _d = setup_inputs()
    print(jax.jit(kernel)(*tuple(_d.values())))

</pallas_src>

<mosaic_0001>
#map = affine_map<(d0, d1) -> (0)>
#map1 = affine_map<(d0, d1) -> (0, 0)>
module attributes {stable_mosaic.version = 14 : i64} {
  func.func @_combine_body(%arg0: i32, %arg1: i32, %arg2: memref<4096xi32, #tpu.memory_space<hbm>>, %arg3: memref<8192x768xf32, #tpu.memory_space<hbm>>, %arg4: memref<4096x768xf32, #tpu.memory_space<hbm>>, %arg5: memref<128xi32, #tpu.memory_space<vmem>>, %arg6: memref<128x768xf32, #tpu.memory_space<vmem>>, %arg7: memref<!tpu.dma_semaphore, #tpu.memory_space<semaphore_mem>>) attributes {dimension_semantics = [#tpu.dimension_semantics<core_parallel>, #tpu.dimension_semantics<subcore_parallel>], iteration_bounds = array<i64: 2, 16>, scalar_prefetch = 0 : i64, scratch_operands = 3 : i64, tpu.core_type = #tpu.core_type<sc_vector_subcore>, window_params = [{transform_indices = #map}, {transform_indices = #map1}, {transform_indices = #map1}]} {
    %mul3A = arith.constant 2 : i32
    %mul3A_0 = arith.muli %arg1, %mul3A : i32
    %add3A = arith.addi %mul3A_0, %arg0 : i32
    %mul3A_1 = arith.constant 128 : i32
    %mul3A_2 = arith.muli %add3A, %mul3A_1 : i32
    "tpu.region"() ({
      %run_scoped3A = tpu.sem_alloc : memref<!tpu.dma_semaphore, #tpu.memory_space<semaphore_mem>>
      %dma_start3A_7 = tpu.memref_slice %arg2[%mul3A_2] : memref<4096xi32, #tpu.memory_space<hbm>> -> memref<128xi32, #tpu.memory_space<hbm>>
      %dma_start3A_8 = tpu.memref_slice %arg2[%mul3A_2] : memref<4096xi32, #tpu.memory_space<hbm>> -> memref<128xi32, #tpu.memory_space<hbm>>
      tpu.enqueue_dma source(%dma_start3A_8 : memref<128xi32, #tpu.memory_space<hbm>>) target(%arg5 : memref<128xi32, #tpu.memory_space<vmem>>) target_semaphore(%run_scoped3A : memref<!tpu.dma_semaphore, #tpu.memory_space<semaphore_mem>>)
      %dma_wait3A_9 = tpu.memref_slice %arg2[%mul3A_2] : memref<4096xi32, #tpu.memory_space<hbm>> -> memref<128xi32, #tpu.memory_space<hbm>>
      %dma_wait3A_10 = tpu.memref_slice %arg2[%mul3A_2] : memref<4096xi32, #tpu.memory_space<hbm>> -> memref<128xi32, #tpu.memory_space<hbm>>
      tpu.wait_dma2 semaphore(%run_scoped3A : memref<!tpu.dma_semaphore, #tpu.memory_space<semaphore_mem>>) src(%dma_wait3A_10 : memref<128xi32, #tpu.memory_space<hbm>>) dst(%arg5 : memref<128xi32, #tpu.memory_space<vmem>>)
      tpu.yield
    }) : () -> ()
    %dma_start3A = arith.constant 0 : i32
    %dma_start3A_3 = arith.constant 0 : i32
    %dma_start3A_4 = tpu.memref_slice %arg3[%dma_start3A, %dma_start3A_3] : memref<8192x768xf32, #tpu.memory_space<hbm>> -> memref<8192x768xf32, #tpu.memory_space<hbm>>
    tpu.enqueue_indirect_dma source(%dma_start3A_4 : memref<8192x768xf32, #tpu.memory_space<hbm>>) target(%arg6 : memref<128x768xf32, #tpu.memory_space<vmem>>) offsets(%arg5 : memref<128xi32, #tpu.memory_space<vmem>>) semaphore(%arg7 : memref<!tpu.dma_semaphore, #tpu.memory_space<semaphore_mem>>)
    %dma_wait3A = arith.constant 0 : i32
    %dma_wait3A_5 = arith.constant 0 : i32
    %dma_wait3A_6 = tpu.memref_slice %arg3[%dma_wait3A, %dma_wait3A_5] : memref<8192x768xf32, #tpu.memory_space<hbm>> -> memref<8192x768xf32, #tpu.memory_space<hbm>>
    tpu.wait_indirect_dma semaphore(%arg7 : memref<!tpu.dma_semaphore, #tpu.memory_space<semaphore_mem>>) src(%dma_wait3A_6 : memref<8192x768xf32, #tpu.memory_space<hbm>>) dst(%arg6 : memref<128x768xf32, #tpu.memory_space<vmem>>)
    "tpu.region"() ({
      %run_scoped3A = tpu.sem_alloc : memref<!tpu.dma_semaphore, #tpu.memory_space<semaphore_mem>>
      %dma_start3A_7 = arith.constant 0 : i32
      %dma_start3A_8 = tpu.memref_slice %arg4[%mul3A_2, %dma_start3A_7] : memref<4096x768xf32, #tpu.memory_space<hbm>> -> memref<128x768xf32, #tpu.memory_space<hbm>>
      %dma_start3A_9 = arith.constant 0 : i32
      %dma_start3A_10 = tpu.memref_slice %arg4[%mul3A_2, %dma_start3A_9] : memref<4096x768xf32, #tpu.memory_space<hbm>> -> memref<128x768xf32, #tpu.memory_space<hbm>>
      tpu.enqueue_dma source(%arg6 : memref<128x768xf32, #tpu.memory_space<vmem>>) target(%dma_start3A_10 : memref<128x768xf32, #tpu.memory_space<hbm>>) target_semaphore(%run_scoped3A : memref<!tpu.dma_semaphore, #tpu.memory_space<semaphore_mem>>)
      %dma_wait3A_11 = arith.constant 0 : i32
      %dma_wait3A_12 = tpu.memref_slice %arg4[%mul3A_2, %dma_wait3A_11] : memref<4096x768xf32, #tpu.memory_space<hbm>> -> memref<128x768xf32, #tpu.memory_space<hbm>>
      %dma_wait3A_13 = arith.constant 0 : i32
      %dma_wait3A_14 = tpu.memref_slice %arg4[%mul3A_2, %dma_wait3A_13] : memref<4096x768xf32, #tpu.memory_space<hbm>> -> memref<128x768xf32, #tpu.memory_space<hbm>>
      tpu.wait_dma2 semaphore(%run_scoped3A : memref<!tpu.dma_semaphore, #tpu.memory_space<semaphore_mem>>) src(%arg6 : memref<128x768xf32, #tpu.memory_space<vmem>>) dst(%dma_wait3A_14 : memref<128x768xf32, #tpu.memory_space<hbm>>)
      tpu.yield
    }) : () -> ()
    return
  }
}

#map = affine_map<(d0, d1) -> (0)>
#map1 = affine_map<(d0, d1) -> (0, 0)>
module attributes {stable_mosaic.version = 14 : i64} {
  func.func @_dispatch_body(%arg0: i32, %arg1: i32, %arg2: memref<2048xi32, #tpu.memory_space<hbm>>, %arg3: memref<2048xi32, #tpu.memory_space<hbm>>, %arg4: memref<2048x768xf32, #tpu.memory_space<hbm>>, %arg5: memref<8192x768xf32, #tpu.memory_space<hbm>>, %arg6: memref<2048xi32, #tpu.memory_space<vmem>>, %arg7: memref<2048xi32, #tpu.memory_space<vmem>>, %arg8: memref<128xi32, #tpu.memory_space<vmem>>, %arg9: memref<128xi32, #tpu.memory_space<vmem>>, %arg10: memref<128x768xf32, #tpu.memory_space<vmem>>, %arg11: memref<!tpu.dma_semaphore, #tpu.memory_space<semaphore_mem>>) attributes {dimension_semantics = [#tpu.dimension_semantics<core_parallel>, #tpu.dimension_semantics<subcore_parallel>], iteration_bounds = array<i64: 2, 16>, scalar_prefetch = 0 : i64, scratch_operands = 6 : i64, tpu.core_type = #tpu.core_type<sc_vector_subcore>, window_params = [{transform_indices = #map}, {transform_indices = #map}, {transform_indices = #map1}, {transform_indices = #map1}]} {
    %mul3A = arith.constant 2 : i32
    %mul3A_0 = arith.muli %arg1, %mul3A : i32
    %add3A = arith.addi %mul3A_0, %arg0 : i32
    %mul3A_1 = arith.constant 2 : i32
    %mul3A_2 = arith.muli %add3A, %mul3A_1 : i32
    %mul3A_3 = arith.constant 128 : i32
    %mul3A_4 = arith.muli %mul3A_2, %mul3A_3 : i32
    "tpu.region"() ({
      %run_scoped3A = tpu.sem_alloc : memref<!tpu.dma_semaphore, #tpu.memory_space<semaphore_mem>>
      tpu.enqueue_dma source(%arg2 : memref<2048xi32, #tpu.memory_space<hbm>>) target(%arg6 : memref<2048xi32, #tpu.memory_space<vmem>>) target_semaphore(%run_scoped3A : memref<!tpu.dma_semaphore, #tpu.memory_space<semaphore_mem>>)
      tpu.wait_dma2 semaphore(%run_scoped3A : memref<!tpu.dma_semaphore, #tpu.memory_space<semaphore_mem>>) src(%arg2 : memref<2048xi32, #tpu.memory_space<hbm>>) dst(%arg6 : memref<2048xi32, #tpu.memory_space<vmem>>)
      tpu.yield
    }) : () -> ()
    "tpu.region"() ({
      %run_scoped3A = tpu.sem_alloc : memref<!tpu.dma_semaphore, #tpu.memory_space<semaphore_mem>>
      tpu.enqueue_dma source(%arg3 : memref<2048xi32, #tpu.memory_space<hbm>>) target(%arg7 : memref<2048xi32, #tpu.memory_space<vmem>>) target_semaphore(%run_scoped3A : memref<!tpu.dma_semaphore, #tpu.memory_space<semaphore_mem>>)
      tpu.wait_dma2 semaphore(%run_scoped3A : memref<!tpu.dma_semaphore, #tpu.memory_space<semaphore_mem>>) src(%arg3 : memref<2048xi32, #tpu.memory_space<hbm>>) dst(%arg7 : memref<2048xi32, #tpu.memory_space<vmem>>)
      tpu.yield
    }) : () -> ()
    %broadcast_in_dim3A = arith.constant 0 : i32
    %broadcast_in_dim3A_5 = vector.broadcast %broadcast_in_dim3A : i32 to vector<16xi32>
    %swap3A = arith.constant 0 : index
    %swap3A_6 = tpu.vector_load %arg8[%swap3A] {strides = array<i32>} : memref<128xi32, #tpu.memory_space<vmem>>, vector<16xi32>,
    tpu.vector_store %arg8[%swap3A], %broadcast_in_dim3A_5 {strides = array<i32>} : memref<128xi32, #tpu.memory_space<vmem>>, vector<16xi32>,
    %swap3A_7 = arith.constant 0 : index
    %swap3A_8 = tpu.vector_load %arg9[%swap3A_7] {strides = array<i32>} : memref<128xi32, #tpu.memory_space<vmem>>, vector<16xi32>,
    tpu.vector_store %arg9[%swap3A_7], %broadcast_in_dim3A_5 {strides = array<i32>} : memref<128xi32, #tpu.memory_space<vmem>>, vector<16xi32>,
    %broadcast_in_dim3A_9 = arith.constant 0 : i32
    %broadcast_in_dim3A_10 = vector.broadcast %broadcast_in_dim3A_9 : i32 to vector<16xi32>
    %swap3A_11 = arith.constant 16 : index
    %swap3A_12 = tpu.vector_load %arg8[%swap3A_11] {strides = array<i32>} : memref<128xi32, #tpu.memory_space<vmem>>, vector<16xi32>,
    tpu.vector_store %arg8[%swap3A_11], %broadcast_in_dim3A_10 {strides = array<i32>} : memref<128xi32, #tpu.memory_space<vmem>>, vector<16xi32>,
    %swap3A_13 = arith.constant 16 : index
    %swap3A_14 = tpu.vector_load %arg9[%swap3A_13] {strides = array<i32>} : memref<128xi32, #tpu.memory_space<vmem>>, vector<16xi32>,
    tpu.vector_store %arg9[%swap3A_13], %broadcast_in_dim3A_10 {strides = array<i32>} : memref<128xi32, #tpu.memory_space<vmem>>, vector<16xi32>,
    %broadcast_in_dim3A_15 = arith.constant 0 : i32
    %broadcast_in_dim3A_16 = vector.broadcast %broadcast_in_dim3A_15 : i32 to vector<16xi32>
    %swap3A_17 = arith.constant 32 : index
    %swap3A_18 = tpu.vector_load %arg8[%swap3A_17] {strides = array<i32>} : memref<128xi32, #tpu.memory_space<vmem>>, vector<16xi32>,
    tpu.vector_store %arg8[%swap3A_17], %broadcast_in_dim3A_16 {strides = array<i32>} : memref<128xi32, #tpu.memory_space<vmem>>, vector<16xi32>,
    %swap3A_19 = arith.constant 32 : index
    %swap3A_20 = tpu.vector_load %arg9[%swap3A_19] {strides = array<i32>} : memref<128xi32, #tpu.memory_space<vmem>>, vector<16xi32>,
    tpu.vector_store %arg9[%swap3A_19], %broadcast_in_dim3A_16 {strides = array<i32>} : memref<128xi32, #tpu.memory_space<vmem>>, vector<16xi32>,
    %broadcast_in_dim3A_21 = arith.constant 0 : i32
    %broadcast_in_dim3A_22 = vector.broadcast %broadcast_in_dim3A_21 : i32 to vector<16xi32>
    %swap3A_23 = arith.constant 48 : index
    %swap3A_24 = tpu.vector_load %arg8[%swap3A_23] {strides = array<i32>} : memref<128xi32, #tpu.memory_space<vmem>>, vector<16xi32>,
    tpu.vector_store %arg8[%swap3A_23], %broadcast_in_dim3A_22 {strides = array<i32>} : memref<128xi32, #tpu.memory_space<vmem>>, vector<16xi32>,
    %swap3A_25 = arith.constant 48 : index
    %swap3A_26 = tpu.vector_load %arg9[%swap3A_25] {strides = array<i32>} : memref<128xi32, #tpu.memory_space<vmem>>, vector<16xi32>,
    tpu.vector_store %arg9[%swap3A_25], %broadcast_in_dim3A_22 {strides = array<i32>} : memref<128xi32, #tpu.memory_space<vmem>>, vector<16xi32>,
    %broadcast_in_dim3A_27 = arith.constant 0 : i32
    %broadcast_in_dim3A_28 = vector.broadcast %broadcast_in_dim3A_27 : i32 to vector<16xi32>
    %swap3A_29 = arith.constant 64 : index
    %swap3A_30 = tpu.vector_load %arg8[%swap3A_29] {strides = array<i32>} : memref<128xi32, #tpu.memory_space<vmem>>, vector<16xi32>,
    tpu.vector_store %arg8[%swap3A_29], %broadcast_in_dim3A_28 {strides = array<i32>} : memref<128xi32, #tpu.memory_space<vmem>>, vector<16xi32>,
    %swap3A_31 = arith.constant 64 : index
    %swap3A_32 = tpu.vector_load %arg9[%swap3A_31] {strides = array<i32>} : memref<128xi32, #tpu.memory_space<vmem>>, vector<16xi32>,
    tpu.vector_store %arg9[%swap3A_31], %broadcast_in_dim3A_28 {strides = array<i32>} : memref<128xi32, #tpu.memory_space<vmem>>, vector<16xi32>,
    %broadcast_in_dim3A_33 = arith.constant 0 : i32
    %broadcast_in_dim3A_34 = vector.broadcast %broadcast_in_dim3A_33 : i32 to vector<16xi32>
    %swap3A_35 = arith.constant 80 : index
    %swap3A_36 = tpu.vector_load %arg8[%swap3A_35] {strides = array<i32>} : memref<128xi32, #tpu.memory_space<vmem>>, vector<16xi32>,
    tpu.vector_store %arg8[%swap3A_35], %broadcast_in_dim3A_34 {strides = array<i32>} : memref<128xi32, #tpu.memory_space<vmem>>, vector<16xi32>,
    %swap3A_37 = arith.constant 80 : index
    %swap3A_38 = tpu.vector_load %arg9[%swap3A_37] {strides = array<i32>} : memref<128xi32, #tpu.memory_space<vmem>>, vector<16xi32>,
    tpu.vector_store %arg9[%swap3A_37], %broadcast_in_dim3A_34 {strides = array<i32>} : memref<128xi32, #tpu.memory_space<vmem>>, vector<16xi32>,
    %broadcast_in_dim3A_39 = arith.constant 0 : i32
    %broadcast_in_dim3A_40 = vector.broadcast %broadcast_in_dim3A_39 : i32 to vector<16xi32>
    %swap3A_41 = arith.constant 96 : index
    %swap3A_42 = tpu.vector_load %arg8[%swap3A_41] {strides = array<i32>} : memref<128xi32, #tpu.memory_space<vmem>>, vector<16xi32>,
    tpu.vector_store %arg8[%swap3A_41], %broadcast_in_dim3A_40 {strides = array<i32>} : memref<128xi32, #tpu.memory_space<vmem>>, vector<16xi32>,
    %swap3A_43 = arith.constant 96 : index
    %swap3A_44 = tpu.vector_load %arg9[%swap3A_43] {strides = array<i32>} : memref<128xi32, #tpu.memory_space<vmem>>, vector<16xi32>,
    tpu.vector_store %arg9[%swap3A_43], %broadcast_in_dim3A_40 {strides = array<i32>} : memref<128xi32, #tpu.memory_space<vmem>>, vector<16xi32>,
    %broadcast_in_dim3A_45 = arith.constant 0 : i32
    %broadcast_in_dim3A_46 = vector.broadcast %broadcast_in_dim3A_45 : i32 to vector<16xi32>
    %swap3A_47 = arith.constant 112 : index
    %swap3A_48 = tpu.vector_load %arg8[%swap3A_47] {strides = array<i32>} : memref<128xi32, #tpu.memory_space<vmem>>, vector<16xi32>,
    tpu.vector_store %arg8[%swap3A_47], %broadcast_in_dim3A_46 {strides = array<i32>} : memref<128xi32, #tpu.memory_space<vmem>>, vector<16xi32>,
    %swap3A_49 = arith.constant 112 : index
    %swap3A_50 = tpu.vector_load %arg9[%swap3A_49] {strides = array<i32>} : memref<128xi32, #tpu.memory_space<vmem>>, vector<16xi32>,
    tpu.vector_store %arg9[%swap3A_49], %broadcast_in_dim3A_46 {strides = array<i32>} : memref<128xi32, #tpu.memory_space<vmem>>, vector<16xi32>,
    %scan3A = arith.constant 0 : i32
    %scan3A_51 = arith.constant 0 : i32
    %scan3A_52 = arith.constant 128 : i32
    %scan3A_53 = arith.addi %scan3A_51, %scan3A_52 : i32
    %scan3A_54 = arith.constant 1 : i32
    %scan3A_55 = scf.for %scan3A_69 = %scan3A_51 to %scan3A_53 step %scan3A_54 iter_args(%scan3A_70 = %scan3A) -> (i32)  : i32 {
      %mul3A_71 = arith.constant 16 : i32
      %mul3A_72 = arith.muli %scan3A_69, %mul3A_71 : i32
      %iota3A = tpu.iota {dimensions = array<i32: 0>} : vector<16xi32>
      %add3A_73 = vector.broadcast %mul3A_72 : i32 to vector<16xi32>
      %add3A_74 = arith.addi %add3A_73, %iota3A : vector<16xi32>
      %mul3A_75 = arith.constant 16 : i32
      %mul3A_76 = arith.muli %scan3A_69, %mul3A_75 : i32
      %get3A = arith.index_cast %mul3A_76 : i32 to index
      %get3A_77 = tpu.vector_load %arg6[%get3A] {strides = array<i32>} : memref<2048xi32, #tpu.memory_space<vmem>>, vector<16xi32>,
      %sub3A = vector.broadcast %mul3A_4 : i32 to vector<16xi32>
      %sub3A_78 = arith.subi %get3A_77, %sub3A : vector<16xi32>
      %ge3A = arith.constant 0 : i32
      %ge3A_79 = vector.broadcast %ge3A : i32 to vector<16xi32>
      %ge3A_80 = arith.cmpi sge, %sub3A_78, %ge3A_79 : vector<16xi32>
      %lt3A = arith.constant 128 : i32
      %lt3A_81 = vector.broadcast %lt3A : i32 to vector<16xi32>
      %lt3A_82 = arith.cmpi slt, %sub3A_78, %lt3A_81 : vector<16xi32>
      %and3A = arith.andi %ge3A_80, %lt3A_82 : vector<16xi1>
      %jit3A = arith.constant 0 : i32
      %jit3A_83 = arith.constant 127 : i32
      %max3A = vector.broadcast %jit3A : i32 to vector<16xi32>
      %max3A_84 = arith.maxsi %max3A, %sub3A_78 : vector<16xi32>
      %min3A = vector.broadcast %jit3A_83 : i32 to vector<16xi32>
      %min3A_85 = arith.minsi %min3A, %max3A_84 : vector<16xi32>
      tpu.vector_store_idx %arg8[%min3A_85], %add3A_74 masked %and3A : memref<128xi32, #tpu.memory_space<vmem>>[vector<16xi32>], vector<16xi32>, vector<16xi1>
      %sub3A_86 = arith.constant 128 : i32
      %sub3A_87 = vector.broadcast %sub3A_86 : i32 to vector<16xi32>
      %sub3A_88 = arith.subi %sub3A_78, %sub3A_87 : vector<16xi32>
      %ge3A_89 = arith.constant 0 : i32
      %ge3A_90 = vector.broadcast %ge3A_89 : i32 to vector<16xi32>
      %ge3A_91 = arith.cmpi sge, %sub3A_88, %ge3A_90 : vector<16xi32>
      %lt3A_92 = arith.constant 128 : i32
      %lt3A_93 = vector.broadcast %lt3A_92 : i32 to vector<16xi32>
      %lt3A_94 = arith.cmpi slt, %sub3A_88, %lt3A_93 : vector<16xi32>
      %and3A_95 = arith.andi %ge3A_91, %lt3A_94 : vector<16xi1>
      %jit3A_96 = arith.constant 0 : i32
      %jit3A_97 = arith.constant 127 : i32
      %max3A_98 = vector.broadcast %jit3A_96 : i32 to vector<16xi32>
      %max3A_99 = arith.maxsi %max3A_98, %sub3A_88 : vector<16xi32>
      %min3A_100 = vector.broadcast %jit3A_97 : i32 to vector<16xi32>
      %min3A_101 = arith.minsi %min3A_100, %max3A_99 : vector<16xi32>
      tpu.vector_store_idx %arg9[%min3A_101], %add3A_74 masked %and3A_95 : memref<128xi32, #tpu.memory_space<vmem>>[vector<16xi32>], vector<16xi32>, vector<16xi1>
      %mul3A_102 = arith.constant 16 : i32
      %mul3A_103 = arith.muli %scan3A_69, %mul3A_102 : i32
      %get3A_104 = arith.index_cast %mul3A_103 : i32 to index
      %get3A_105 = tpu.vector_load %arg7[%get3A_104] {strides = array<i32>} : memref<2048xi32, #tpu.memory_space<vmem>>, vector<16xi32>,
      %sub3A_106 = vector.broadcast %mul3A_4 : i32 to vector<16xi32>
      %sub3A_107 = arith.subi %get3A_105, %sub3A_106 : vector<16xi32>
      %ge3A_108 = arith.constant 0 : i32
      %ge3A_109 = vector.broadcast %ge3A_108 : i32 to vector<16xi32>
      %ge3A_110 = arith.cmpi sge, %sub3A_107, %ge3A_109 : vector<16xi32>
      %lt3A_111 = arith.constant 128 : i32
      %lt3A_112 = vector.broadcast %lt3A_111 : i32 to vector<16xi32>
      %lt3A_113 = arith.cmpi slt, %sub3A_107, %lt3A_112 : vector<16xi32>
      %and3A_114 = arith.andi %ge3A_110, %lt3A_113 : vector<16xi1>
      %jit3A_115 = arith.constant 0 : i32
      %jit3A_116 = arith.constant 127 : i32
      %max3A_117 = vector.broadcast %jit3A_115 : i32 to vector<16xi32>
      %max3A_118 = arith.maxsi %max3A_117, %sub3A_107 : vector<16xi32>
      %min3A_119 = vector.broadcast %jit3A_116 : i32 to vector<16xi32>
      %min3A_120 = arith.minsi %min3A_119, %max3A_118 : vector<16xi32>
      tpu.vector_store_idx %arg8[%min3A_120], %add3A_74 masked %and3A_114 : memref<128xi32, #tpu.memory_space<vmem>>[vector<16xi32>], vector<16xi32>, vector<16xi1>
      %sub3A_121 = arith.constant 128 : i32
      %sub3A_122 = vector.broadcast %sub3A_121 : i32 to vector<16xi32>
      %sub3A_123 = arith.subi %sub3A_107, %sub3A_122 : vector<16xi32>
      %ge3A_124 = arith.constant 0 : i32
      %ge3A_125 = vector.broadcast %ge3A_124 : i32 to vector<16xi32>
      %ge3A_126 = arith.cmpi sge, %sub3A_123, %ge3A_125 : vector<16xi32>
      %lt3A_127 = arith.constant 128 : i32
      %lt3A_128 = vector.broadcast %lt3A_127 : i32 to vector<16xi32>
      %lt3A_129 = arith.cmpi slt, %sub3A_123, %lt3A_128 : vector<16xi32>
      %and3A_130 = arith.andi %ge3A_126, %lt3A_129 : vector<16xi1>
      %jit3A_131 = arith.constant 0 : i32
      %jit3A_132 = arith.constant 127 : i32
      %max3A_133 = vector.broadcast %jit3A_131 : i32 to vector<16xi32>
      %max3A_134 = arith.maxsi %max3A_133, %sub3A_123 : vector<16xi32>
      %min3A_135 = vector.broadcast %jit3A_132 : i32 to vector<16xi32>
      %min3A_136 = arith.minsi %min3A_135, %max3A_134 : vector<16xi32>
      tpu.vector_store_idx %arg9[%min3A_136], %add3A_74 masked %and3A_130 : memref<128xi32, #tpu.memory_space<vmem>>[vector<16xi32>], vector<16xi32>, vector<16xi1>
      %scan3A_137 = arith.constant 0 : i32
      scf.yield %scan3A_137 : i32
    }
    %scan3A_56 = arith.constant 128 : i32
    %dma_start3A = arith.constant 0 : i32
    %dma_start3A_57 = arith.constant 0 : i32
    %dma_start3A_58 = tpu.memref_slice %arg4[%dma_start3A, %dma_start3A_57] : memref<2048x768xf32, #tpu.memory_space<hbm>> -> memref<2048x768xf32, #tpu.memory_space<hbm>>
    tpu.enqueue_indirect_dma source(%dma_start3A_58 : memref<2048x768xf32, #tpu.memory_space<hbm>>) target(%arg10 : memref<128x768xf32, #tpu.memory_space<vmem>>) offsets(%arg8 : memref<128xi32, #tpu.memory_space<vmem>>) semaphore(%arg11 : memref<!tpu.dma_semaphore, #tpu.memory_space<semaphore_mem>>)
    %dma_wait3A = arith.constant 0 : i32
    %dma_wait3A_59 = arith.constant 0 : i32
    %dma_wait3A_60 = tpu.memref_slice %arg4[%dma_wait3A, %dma_wait3A_59] : memref<2048x768xf32, #tpu.memory_space<hbm>> -> memref<2048x768xf32, #tpu.memory_space<hbm>>
    tpu.wait_indirect_dma semaphore(%arg11 : memref<!tpu.dma_semaphore, #tpu.memory_space<semaphore_mem>>) src(%dma_wait3A_60 : memref<2048x768xf32, #tpu.memory_space<hbm>>) dst(%arg10 : memref<128x768xf32, #tpu.memory_space<vmem>>)
    "tpu.region"() ({
      %run_scoped3A = tpu.sem_alloc : memref<!tpu.dma_semaphore, #tpu.memory_space<semaphore_mem>>
      %dma_start3A_69 = arith.constant 0 : i32
      %dma_start3A_70 = tpu.memref_slice %arg5[%mul3A_4, %dma_start3A_69] : memref<8192x768xf32, #tpu.memory_space<hbm>> -> memref<128x768xf32, #tpu.memory_space<hbm>>
      %dma_start3A_71 = arith.constant 0 : i32
      %dma_start3A_72 = tpu.memref_slice %arg5[%mul3A_4, %dma_start3A_71] : memref<8192x768xf32, #tpu.memory_space<hbm>> -> memref<128x768xf32, #tpu.memory_space<hbm>>
      tpu.enqueue_dma source(%arg10 : memref<128x768xf32, #tpu.memory_space<vmem>>) target(%dma_start3A_72 : memref<128x768xf32, #tpu.memory_space<hbm>>) target_semaphore(%run_scoped3A : memref<!tpu.dma_semaphore, #tpu.memory_space<semaphore_mem>>)
      %dma_wait3A_73 = arith.constant 0 : i32
      %dma_wait3A_74 = tpu.memref_slice %arg5[%mul3A_4, %dma_wait3A_73] : memref<8192x768xf32, #tpu.memory_space<hbm>> -> memref<128x768xf32, #tpu.memory_space<hbm>>
      %dma_wait3A_75 = arith.constant 0 : i32
      %dma_wait3A_76 = tpu.memref_slice %arg5[%mul3A_4, %dma_wait3A_75] : memref<8192x768xf32, #tpu.memory_space<hbm>> -> memref<128x768xf32, #tpu.memory_space<hbm>>
      tpu.wait_dma2 semaphore(%run_scoped3A : memref<!tpu.dma_semaphore, #tpu.memory_space<semaphore_mem>>) src(%arg10 : memref<128x768xf32, #tpu.memory_space<vmem>>) dst(%dma_wait3A_76 : memref<128x768xf32, #tpu.memory_space<hbm>>)
      tpu.yield
    }) : () -> ()
    %dma_start3A_61 = arith.constant 0 : i32
    %dma_start3A_62 = arith.constant 0 : i32
    %dma_start3A_63 = tpu.memref_slice %arg4[%dma_start3A_61, %dma_start3A_62] : memref<2048x768xf32, #tpu.memory_space<hbm>> -> memref<2048x768xf32, #tpu.memory_space<hbm>>
    tpu.enqueue_indirect_dma source(%dma_start3A_63 : memref<2048x768xf32, #tpu.memory_space<hbm>>) target(%arg10 : memref<128x768xf32, #tpu.memory_space<vmem>>) offsets(%arg9 : memref<128xi32, #tpu.memory_space<vmem>>) semaphore(%arg11 : memref<!tpu.dma_semaphore, #tpu.memory_space<semaphore_mem>>)
    %dma_wait3A_64 = arith.constant 0 : i32
    %dma_wait3A_65 = arith.constant 0 : i32
    %dma_wait3A_66 = tpu.memref_slice %arg4[%dma_wait3A_64, %dma_wait3A_65] : memref<2048x768xf32, #tpu.memory_space<hbm>> -> memref<2048x768xf32, #tpu.memory_space<hbm>>
    tpu.wait_indirect_dma semaphore(%arg11 : memref<!tpu.dma_semaphore, #tpu.memory_space<semaphore_mem>>) src(%dma_wait3A_66 : memref<2048x768xf32, #tpu.memory_space<hbm>>) dst(%arg10 : memref<128x768xf32, #tpu.memory_space<vmem>>)
    %add3A_67 = arith.constant 128 : i32
    %add3A_68 = arith.addi %mul3A_4, %add3A_67 : i32
    "tpu.region"() ({
      %run_scoped3A = tpu.sem_alloc : memref<!tpu.dma_semaphore, #tpu.memory_space<semaphore_mem>>
      %dma_start3A_69 = arith.constant 0 : i32
      %dma_start3A_70 = tpu.memref_slice %arg5[%add3A_68, %dma_start3A_69] : memref<8192x768xf32, #tpu.memory_space<hbm>> -> memref<128x768xf32, #tpu.memory_space<hbm>>
      %dma_start3A_71 = arith.constant 0 : i32
      %dma_start3A_72 = tpu.memref_slice %arg5[%add3A_68, %dma_start3A_71] : memref<8192x768xf32, #tpu.memory_space<hbm>> -> memref<128x768xf32, #tpu.memory_space<hbm>>
      tpu.enqueue_dma source(%arg10 : memref<128x768xf32, #tpu.memory_space<vmem>>) target(%dma_start3A_72 : memref<128x768xf32, #tpu.memory_space<hbm>>) target_semaphore(%run_scoped3A : memref<!tpu.dma_semaphore, #tpu.memory_space<semaphore_mem>>)
      %dma_wait3A_73 = arith.constant 0 : i32
      %dma_wait3A_74 = tpu.memref_slice %arg5[%add3A_68, %dma_wait3A_73] : memref<8192x768xf32, #tpu.memory_space<hbm>> -> memref<128x768xf32, #tpu.memory_space<hbm>>
      %dma_wait3A_75 = arith.constant 0 : i32
      %dma_wait3A_76 = tpu.memref_slice %arg5[%add3A_68, %dma_wait3A_75] : memref<8192x768xf32, #tpu.memory_space<hbm>> -> memref<128x768xf32, #tpu.memory_space<hbm>>
      tpu.wait_dma2 semaphore(%run_scoped3A : memref<!tpu.dma_semaphore, #tpu.memory_space<semaphore_mem>>) src(%arg10 : memref<128x768xf32, #tpu.memory_space<vmem>>) dst(%dma_wait3A_76 : memref<128x768xf32, #tpu.memory_space<hbm>>)
      tpu.yield
    }) : () -> ()
    return
  }
}

module attributes {stable_mosaic.version = 14 : i64} {
  func.func @_qkv_body(%arg0: i32, %arg1: memref<256x768xf32, #tpu.memory_space<vmem>>, %arg2: memref<1x768xf32, #tpu.memory_space<vmem>>, %arg3: memref<1x768xf32, #tpu.memory_space<vmem>>, %arg4: memref<768x768xf32, #tpu.memory_space<vmem>>, %arg5: memref<768x768xf32, #tpu.memory_space<vmem>>, %arg6: memref<768x768xf32, #tpu.memory_space<vmem>>, %arg7: memref<256x768xf32, #tpu.memory_space<vmem>>, %arg8: memref<256x768xf32, #tpu.memory_space<vmem>>, %arg9: memref<256x768xf32, #tpu.memory_space<vmem>>) attributes {dimension_semantics = [#tpu.dimension_semantics<arbitrary>], iteration_bounds = array<i64: 8>, scalar_prefetch = 0 : i64, scratch_operands = 0 : i64, tpu.core_type = #tpu.core_type<tc>, window_params = [{transform_indices = @transform_0, window_bounds = array<i64: 256, 768>}, {pipeline_mode = #tpu.pipeline_mode<synchronous>, transform_indices = @transform_1, window_bounds = array<i64: 1, 768>}, {pipeline_mode = #tpu.pipeline_mode<synchronous>, transform_indices = @transform_2, window_bounds = array<i64: 1, 768>}, {pipeline_mode = #tpu.pipeline_mode<synchronous>, transform_indices = @transform_3, window_bounds = array<i64: 768, 768>}, {pipeline_mode = #tpu.pipeline_mode<synchronous>, transform_indices = @transform_4, window_bounds = array<i64: 768, 768>}, {pipeline_mode = #tpu.pipeline_mode<synchronous>, transform_indices = @transform_5, window_bounds = array<i64: 768, 768>}, {transform_indices = @transform_6, window_bounds = array<i64: 256, 768>}, {transform_indices = @transform_7, window_bounds = array<i64: 256, 768>}, {transform_indices = @transform_8, window_bounds = array<i64: 256, 768>}]} {
    %get3A = arith.constant 0 : index
    %get3A_0 = arith.constant 0 : index
    %get3A_1 = vector.load %arg1[%get3A, %get3A_0] : memref<256x768xf32, #tpu.memory_space<vmem>>, vector<256x768xf32>
    %reduce_sum3A = arith.constant dense<0.000000e+00> : vector<256xf32>
    %reduce_sum3A_2 = vector.multi_reduction <add>, %get3A_1, %reduce_sum3A [1] : vector<256x768xf32> to vector<256xf32>
    %broadcast_in_dim3A = vector.shape_cast %reduce_sum3A_2 : vector<256xf32> to vector<256x1xf32>
    %div3A = arith.constant 7.680000e+02 : f32
    %div3A_3 = vector.broadcast %div3A : f32 to vector<256x1xf32>
    %div3A_4 = arith.divf %broadcast_in_dim3A, %div3A_3 : vector<256x1xf32>
    %sub3A = vector.broadcast %div3A_4 : vector<256x1xf32> to vector<256x768xf32>
    %sub3A_5 = arith.subf %get3A_1, %sub3A : vector<256x768xf32>
    %integer_pow3A = arith.mulf %sub3A_5, %sub3A_5 : vector<256x768xf32>
    %reduce_sum3A_6 = arith.constant dense<0.000000e+00> : vector<256xf32>
    %reduce_sum3A_7 = vector.multi_reduction <add>, %integer_pow3A, %reduce_sum3A_6 [1] : vector<256x768xf32> to vector<256xf32>
    %broadcast_in_dim3A_8 = vector.shape_cast %reduce_sum3A_7 : vector<256xf32> to vector<256x1xf32>
    %div3A_9 = arith.constant 7.680000e+02 : f32
    %div3A_10 = vector.broadcast %div3A_9 : f32 to vector<256x1xf32>
    %div3A_11 = arith.divf %broadcast_in_dim3A_8, %div3A_10 : vector<256x1xf32>
    %sub3A_12 = vector.broadcast %div3A_4 : vector<256x1xf32> to vector<256x768xf32>
    %sub3A_13 = arith.subf %get3A_1, %sub3A_12 : vector<256x768xf32>
    %add3A = arith.constant 9.99999974E-6 : f32
    %add3A_14 = vector.broadcast %add3A : f32 to vector<256x1xf32>
    %add3A_15 = arith.addf %div3A_11, %add3A_14 : vector<256x1xf32>
    %rsqrt3A = math.rsqrt %add3A_15 : vector<256x1xf32>
    %mul3A = vector.broadcast %rsqrt3A : vector<256x1xf32> to vector<256x768xf32>
    %mul3A_16 = arith.mulf %sub3A_13, %mul3A : vector<256x768xf32>
    %get3A_17 = arith.constant 0 : index
    %get3A_18 = arith.constant 0 : index
    %get3A_19 = vector.load %arg2[%get3A_17, %get3A_18] : memref<1x768xf32, #tpu.memory_space<vmem>>, vector<1x768xf32>
    %mul3A_20 = vector.broadcast %get3A_19 : vector<1x768xf32> to vector<256x768xf32>
    %mul3A_21 = arith.mulf %mul3A_16, %mul3A_20 : vector<256x768xf32>
    %get3A_22 = arith.constant 0 : index
    %get3A_23 = arith.constant 0 : index
    %get3A_24 = vector.load %arg3[%get3A_22, %get3A_23] : memref<1x768xf32, #tpu.memory_space<vmem>>, vector<1x768xf32>
    %add3A_25 = vector.broadcast %get3A_24 : vector<1x768xf32> to vector<256x768xf32>
    %add3A_26 = arith.addf %mul3A_21, %add3A_25 : vector<256x768xf32>
    %get3A_27 = arith.constant 0 : index
    %get3A_28 = arith.constant 0 : index
    %get3A_29 = vector.load %arg4[%get3A_27, %get3A_28] : memref<768x768xf32, #tpu.memory_space<vmem>>, vector<768x768xf32>
    %dot_general3A = arith.constant dense<0.000000e+00> : vector<256x768xf32>
    %dot_general3A_30 = tpu.matmul %add3A_26, %get3A_29, %dot_general3A {dimension_numbers = #tpu.dot_dimension_numbers<[1], [0], [0], [1], [0, 0, 1, 1], [], []>, transpose_lhs_hint = false} : vector<256x768xf32>, vector<768x768xf32>, vector<256x768xf32> -> vector<256x768xf32>
    %mul3A_31 = arith.constant 1.250000e-01 : f32
    %mul3A_32 = vector.broadcast %mul3A_31 : f32 to vector<256x768xf32>
    %mul3A_33 = arith.mulf %dot_general3A_30, %mul3A_32 : vector<256x768xf32>
    %swap3A = arith.constant 0 : index
    %swap3A_34 = arith.constant 0 : index
    %swap3A_35 = vector.load %arg7[%swap3A, %swap3A_34] : memref<256x768xf32, #tpu.memory_space<vmem>>, vector<256x768xf32>
    tpu.vector_store %arg7[%swap3A, %swap3A_34], %mul3A_33 {strides = array<i32>} : memref<256x768xf32, #tpu.memory_space<vmem>>, vector<256x768xf32>,
    %get3A_36 = arith.constant 0 : index
    %get3A_37 = arith.constant 0 : index
    %get3A_38 = vector.load %arg5[%get3A_36, %get3A_37] : memref<768x768xf32, #tpu.memory_space<vmem>>, vector<768x768xf32>
    %dot_general3A_39 = arith.constant dense<0.000000e+00> : vector<256x768xf32>
    %dot_general3A_40 = tpu.matmul %add3A_26, %get3A_38, %dot_general3A_39 {dimension_numbers = #tpu.dot_dimension_numbers<[1], [0], [0], [1], [0, 0, 1, 1], [], []>, transpose_lhs_hint = false} : vector<256x768xf32>, vector<768x768xf32>, vector<256x768xf32> -> vector<256x768xf32>
    %swap3A_41 = arith.constant 0 : index
    %swap3A_42 = arith.constant 0 : index
    %swap3A_43 = vector.load %arg8[%swap3A_41, %swap3A_42] : memref<256x768xf32, #tpu.memory_space<vmem>>, vector<256x768xf32>
    tpu.vector_store %arg8[%swap3A_41, %swap3A_42], %dot_general3A_40 {strides = array<i32>} : memref<256x768xf32, #tpu.memory_space<vmem>>, vector<256x768xf32>,
    %get3A_44 = arith.constant 0 : index
    %get3A_45 = arith.constant 0 : index
    %get3A_46 = vector.load %arg6[%get3A_44, %get3A_45] : memref<768x768xf32, #tpu.memory_space<vmem>>, vector<768x768xf32>
    %dot_general3A_47 = arith.constant dense<0.000000e+00> : vector<256x768xf32>
    %dot_general3A_48 = tpu.matmul %add3A_26, %get3A_46, %dot_general3A_47 {dimension_numbers = #tpu.dot_dimension_numbers<[1], [0], [0], [1], [0, 0, 1, 1], [], []>, transpose_lhs_hint = false} : vector<256x768xf32>, vector<768x768xf32>, vector<256x768xf32> -> vector<256x768xf32>
    %swap3A_49 = arith.constant 0 : index
    %swap3A_50 = arith.constant 0 : index
    %swap3A_51 = vector.load %arg9[%swap3A_49, %swap3A_50] : memref<256x768xf32, #tpu.memory_space<vmem>>, vector<256x768xf32>
    tpu.vector_store %arg9[%swap3A_49, %swap3A_50], %dot_general3A_48 {strides = array<i32>} : memref<256x768xf32, #tpu.memory_space<vmem>>, vector<256x768xf32>,
    return
  }
  func.func @transform_0(%arg0: i32) -> (i32, i32) {
    %c0_i32 = arith.constant 0 : i32
    %c0_i32_0 = arith.constant 0 : i32
    return %arg0, %c0_i32 : i32, i32
  }
  func.func @transform_1(%arg0: i32) -> (i32, i32) {
    %c0_i32 = arith.constant 0 : i32
    %c0_i32_0 = arith.constant 0 : i32
    %c0_i32_1 = arith.constant 0 : i32
    return %c0_i32, %c0_i32_0 : i32, i32
  }
  func.func @transform_2(%arg0: i32) -> (i32, i32) {
    %c0_i32 = arith.constant 0 : i32
    %c0_i32_0 = arith.constant 0 : i32
    %c0_i32_1 = arith.constant 0 : i32
    return %c0_i32, %c0_i32_0 : i32, i32
  }
  func.func @transform_3(%arg0: i32) -> (i32, i32) {
    %c0_i32 = arith.constant 0 : i32
    %c0_i32_0 = arith.constant 0 : i32
    %c0_i32_1 = arith.constant 0 : i32
    return %c0_i32, %c0_i32_0 : i32, i32
  }
  func.func @transform_4(%arg0: i32) -> (i32, i32) {
    %c0_i32 = arith.constant 0 : i32
    %c0_i32_0 = arith.constant 0 : i32
    %c0_i32_1 = arith.constant 0 : i32
    return %c0_i32, %c0_i32_0 : i32, i32
  }
  func.func @transform_5(%arg0: i32) -> (i32, i32) {
    %c0_i32 = arith.constant 0 : i32
    %c0_i32_0 = arith.constant 0 : i32
    %c0_i32_1 = arith.constant 0 : i32
    return %c0_i32, %c0_i32_0 : i32, i32
  }
  func.func @transform_6(%arg0: i32) -> (i32, i32) {
    %c0_i32 = arith.constant 0 : i32
    %c0_i32_0 = arith.constant 0 : i32
    return %arg0, %c0_i32 : i32, i32
  }
  func.func @transform_7(%arg0: i32) -> (i32, i32) {
    %c0_i32 = arith.constant 0 : i32
    %c0_i32_0 = arith.constant 0 : i32
    return %arg0, %c0_i32 : i32, i32
  }
  func.func @transform_8(%arg0: i32) -> (i32, i32) {
    %c0_i32 = arith.constant 0 : i32
    %c0_i32_0 = arith.constant 0 : i32
    return %arg0, %c0_i32 : i32, i32
  }
}

module attributes {stable_mosaic.version = 14 : i64} {
  func.func @_attn_body(%arg0: i32, %arg1: i32, %arg2: memref<1x256x64xf32, #tpu.memory_space<vmem>>, %arg3: memref<1x2048x64xf32, #tpu.memory_space<vmem>>, %arg4: memref<1x2048x64xf32, #tpu.memory_space<vmem>>, %arg5: memref<1x256x64xf32, #tpu.memory_space<vmem>>) attributes {dimension_semantics = [#tpu.dimension_semantics<arbitrary>, #tpu.dimension_semantics<arbitrary>], iteration_bounds = array<i64: 12, 8>, scalar_prefetch = 0 : i64, scratch_operands = 0 : i64, tpu.core_type = #tpu.core_type<tc>, window_params = [{transform_indices = @transform_0, window_bounds = array<i64: 1, 256, 64>}, {transform_indices = @transform_1, window_bounds = array<i64: 1, 2048, 64>}, {transform_indices = @transform_2, window_bounds = array<i64: 1, 2048, 64>}, {transform_indices = @transform_3, window_bounds = array<i64: 1, 256, 64>}]} {
    %get3A = arith.constant 0 : index
    %get3A_0 = arith.constant 0 : index
    %get3A_1 = arith.constant 0 : index
    %get3A_2 = vector.load %arg2[%get3A, %get3A_0, %get3A_1] : memref<1x256x64xf32, #tpu.memory_space<vmem>>, vector<1x256x64xf32>
    %get3A_3 = vector.shape_cast %get3A_2 : vector<1x256x64xf32> to vector<256x64xf32>
    %broadcast_in_dim3A = arith.constant 0.000000e+00 : f32
    %broadcast_in_dim3A_4 = vector.broadcast %broadcast_in_dim3A : f32 to vector<256x64xf32>
    %broadcast_in_dim3A_5 = arith.constant -1.000000e+30 : f32
    %broadcast_in_dim3A_6 = vector.broadcast %broadcast_in_dim3A_5 : f32 to vector<256x1xf32>
    %broadcast_in_dim3A_7 = arith.constant 0.000000e+00 : f32
    %broadcast_in_dim3A_8 = vector.broadcast %broadcast_in_dim3A_7 : f32 to vector<256x1xf32>
    %add3A = arith.constant 1 : i32
    %add3A_9 = arith.addi %arg1, %add3A : i32
    %while3A = arith.constant 0 : i32
    %while3A_10 = arith.subi %add3A_9, %while3A : i32
    %while3A_11 = arith.addi %while3A, %while3A_10 : i32
    %while3A_12 = arith.constant 1 : i32
    %while3A_13 = arith.divsi %while3A_10, %while3A_12 : i32
    %while3A_14 = arith.muli %while3A_13, %while3A_12 : i32
    %while3A_15 = arith.addi %while3A, %while3A_14 : i32
    %while3A_16 = arith.constant 1 : i32
    %while3A_17:3 = scf.for %while3A_26 = %while3A to %while3A_15 step %while3A_16 iter_args(%while3A_27 = %broadcast_in_dim3A_4, %while3A_28 = %broadcast_in_dim3A_6, %while3A_29 = %broadcast_in_dim3A_8) -> (vector<256x64xf32>, vector<256x1xf32>, vector<256x1xf32>)  : i32 {
      %mul3A = arith.constant 256 : i32
      %mul3A_30 = arith.muli %while3A_26, %mul3A : i32
      %get3A_31 = arith.constant 0 : index
      %get3A_32 = arith.index_cast %mul3A_30 : i32 to index
      %get3A_33 = arith.constant 0 : index
      %get3A_34 = vector.load %arg3[%get3A_31, %get3A_32, %get3A_33] : memref<1x2048x64xf32, #tpu.memory_space<vmem>>, vector<1x256x64xf32>
      %get3A_35 = vector.shape_cast %get3A_34 : vector<1x256x64xf32> to vector<256x64xf32>
      %mul3A_36 = arith.constant 256 : i32
      %mul3A_37 = arith.muli %while3A_26, %mul3A_36 : i32
      %get3A_38 = arith.constant 0 : index
      %get3A_39 = arith.index_cast %mul3A_37 : i32 to index
      %get3A_40 = arith.constant 0 : index
      %get3A_41 = vector.load %arg4[%get3A_38, %get3A_39, %get3A_40] : memref<1x2048x64xf32, #tpu.memory_space<vmem>>, vector<1x256x64xf32>
      %get3A_42 = vector.shape_cast %get3A_41 : vector<1x256x64xf32> to vector<256x64xf32>
      %dot_general3A = arith.constant dense<0.000000e+00> : vector<256x256xf32>
      %dot_general3A_43 = tpu.matmul %get3A_3, %get3A_35, %dot_general3A {dimension_numbers = #tpu.dot_dimension_numbers<[1], [1], [0], [0], [0, 0, 1, 0], [], []>, transpose_lhs_hint = false} : vector<256x64xf32>, vector<256x64xf32>, vector<256x256xf32> -> vector<256x256xf32>
      %iota3A = tpu.iota {dimensions = array<i32: 0>} : vector<256x256xi32>
      %mul3A_44 = arith.constant 256 : i32
      %mul3A_45 = arith.muli %arg1, %mul3A_44 : i32
      %add3A_46 = vector.broadcast %mul3A_45 : i32 to vector<256x256xi32>
      %add3A_47 = arith.addi %iota3A, %add3A_46 : vector<256x256xi32>
      %iota3A_48 = tpu.iota {dimensions = array<i32: 1>} : vector<256x256xi32>
      %mul3A_49 = arith.constant 256 : i32
      %mul3A_50 = arith.muli %while3A_26, %mul3A_49 : i32
      %add3A_51 = vector.broadcast %mul3A_50 : i32 to vector<256x256xi32>
      %add3A_52 = arith.addi %iota3A_48, %add3A_51 : vector<256x256xi32>
      %ge3A = arith.cmpi sge, %add3A_47, %add3A_52 : vector<256x256xi32>
      %jit3A = arith.constant -1.000000e+09 : f32
      %broadcast_in_dim3A_53 = vector.broadcast %jit3A : f32 to vector<256x256xf32>
      %select_n3A = arith.select %ge3A, %dot_general3A_43, %broadcast_in_dim3A_53 : vector<256x256xi1>, vector<256x256xf32>
      %reduce_max3A = arith.constant dense<0xFF800000> : vector<256xf32>
      %reduce_max3A_54 = vector.multi_reduction <maximumf>, %select_n3A, %reduce_max3A [1] : vector<256x256xf32> to vector<256xf32>
      %broadcast_in_dim3A_55 = vector.shape_cast %reduce_max3A_54 : vector<256xf32> to vector<256x1xf32>
      %max3A = arith.maximumf %while3A_28, %broadcast_in_dim3A_55 : vector<256x1xf32>
      %sub3A = vector.broadcast %max3A : vector<256x1xf32> to vector<256x256xf32>
      %sub3A_56 = arith.subf %select_n3A, %sub3A : vector<256x256xf32>
      %exp3A = math.exp %sub3A_56 : vector<256x256xf32>
      %sub3A_57 = arith.subf %while3A_28, %max3A : vector<256x1xf32>
      %exp3A_58 = math.exp %sub3A_57 : vector<256x1xf32>
      %mul3A_59 = arith.mulf %while3A_29, %exp3A_58 : vector<256x1xf32>
      %reduce_sum3A = arith.constant dense<0.000000e+00> : vector<256xf32>
      %reduce_sum3A_60 = vector.multi_reduction <add>, %exp3A, %reduce_sum3A [1] : vector<256x256xf32> to vector<256xf32>
      %broadcast_in_dim3A_61 = vector.shape_cast %reduce_sum3A_60 : vector<256xf32> to vector<256x1xf32>
      %add3A_62 = arith.addf %mul3A_59, %broadcast_in_dim3A_61 : vector<256x1xf32>
      %mul3A_63 = vector.broadcast %exp3A_58 : vector<256x1xf32> to vector<256x64xf32>
      %mul3A_64 = arith.mulf %while3A_27, %mul3A_63 : vector<256x64xf32>
      %dot_general3A_65 = arith.constant dense<0.000000e+00> : vector<256x64xf32>
      %dot_general3A_66 = tpu.matmul %exp3A, %get3A_42, %dot_general3A_65 {dimension_numbers = #tpu.dot_dimension_numbers<[1], [0], [0], [1], [0, 0, 1, 1], [], []>, transpose_lhs_hint = false} : vector<256x256xf32>, vector<256x64xf32>, vector<256x64xf32> -> vector<256x64xf32>
      %add3A_67 = arith.addf %mul3A_64, %dot_general3A_66 : vector<256x64xf32>
      scf.yield %add3A_67, %max3A, %add3A_62 : vector<256x64xf32>, vector<256x1xf32>, vector<256x1xf32>
    }
    %while3A_18 = arith.constant 1 : i32
    %while3A_19:3 = scf.for %while3A_26 = %while3A_15 to %while3A_11 step %while3A_18 iter_args(%while3A_27 = %while3A_17#0, %while3A_28 = %while3A_17#1, %while3A_29 = %while3A_17#2) -> (vector<256x64xf32>, vector<256x1xf32>, vector<256x1xf32>)  : i32 {
      %mul3A = arith.constant 256 : i32
      %mul3A_30 = arith.muli %while3A_26, %mul3A : i32
      %get3A_31 = arith.constant 0 : index
      %get3A_32 = arith.index_cast %mul3A_30 : i32 to index
      %get3A_33 = arith.constant 0 : index
      %get3A_34 = vector.load %arg3[%get3A_31, %get3A_32, %get3A_33] : memref<1x2048x64xf32, #tpu.memory_space<vmem>>, vector<1x256x64xf32>
      %get3A_35 = vector.shape_cast %get3A_34 : vector<1x256x64xf32> to vector<256x64xf32>
      %mul3A_36 = arith.constant 256 : i32
      %mul3A_37 = arith.muli %while3A_26, %mul3A_36 : i32
      %get3A_38 = arith.constant 0 : index
      %get3A_39 = arith.index_cast %mul3A_37 : i32 to index
      %get3A_40 = arith.constant 0 : index
      %get3A_41 = vector.load %arg4[%get3A_38, %get3A_39, %get3A_40] : memref<1x2048x64xf32, #tpu.memory_space<vmem>>, vector<1x256x64xf32>
      %get3A_42 = vector.shape_cast %get3A_41 : vector<1x256x64xf32> to vector<256x64xf32>
      %dot_general3A = arith.constant dense<0.000000e+00> : vector<256x256xf32>
      %dot_general3A_43 = tpu.matmul %get3A_3, %get3A_35, %dot_general3A {dimension_numbers = #tpu.dot_dimension_numbers<[1], [1], [0], [0], [0, 0, 1, 0], [], []>, transpose_lhs_hint = false} : vector<256x64xf32>, vector<256x64xf32>, vector<256x256xf32> -> vector<256x256xf32>
      %iota3A = tpu.iota {dimensions = array<i32: 0>} : vector<256x256xi32>
      %mul3A_44 = arith.constant 256 : i32
      %mul3A_45 = arith.muli %arg1, %mul3A_44 : i32
      %add3A_46 = vector.broadcast %mul3A_45 : i32 to vector<256x256xi32>
      %add3A_47 = arith.addi %iota3A, %add3A_46 : vector<256x256xi32>
      %iota3A_48 = tpu.iota {dimensions = array<i32: 1>} : vector<256x256xi32>
      %mul3A_49 = arith.constant 256 : i32
      %mul3A_50 = arith.muli %while3A_26, %mul3A_49 : i32
      %add3A_51 = vector.broadcast %mul3A_50 : i32 to vector<256x256xi32>
      %add3A_52 = arith.addi %iota3A_48, %add3A_51 : vector<256x256xi32>
      %ge3A = arith.cmpi sge, %add3A_47, %add3A_52 : vector<256x256xi32>
      %jit3A = arith.constant -1.000000e+09 : f32
      %broadcast_in_dim3A_53 = vector.broadcast %jit3A : f32 to vector<256x256xf32>
      %select_n3A = arith.select %ge3A, %dot_general3A_43, %broadcast_in_dim3A_53 : vector<256x256xi1>, vector<256x256xf32>
      %reduce_max3A = arith.constant dense<0xFF800000> : vector<256xf32>
      %reduce_max3A_54 = vector.multi_reduction <maximumf>, %select_n3A, %reduce_max3A [1] : vector<256x256xf32> to vector<256xf32>
      %broadcast_in_dim3A_55 = vector.shape_cast %reduce_max3A_54 : vector<256xf32> to vector<256x1xf32>
      %max3A = arith.maximumf %while3A_28, %broadcast_in_dim3A_55 : vector<256x1xf32>
      %sub3A = vector.broadcast %max3A : vector<256x1xf32> to vector<256x256xf32>
      %sub3A_56 = arith.subf %select_n3A, %sub3A : vector<256x256xf32>
      %exp3A = math.exp %sub3A_56 : vector<256x256xf32>
      %sub3A_57 = arith.subf %while3A_28, %max3A : vector<256x1xf32>
      %exp3A_58 = math.exp %sub3A_57 : vector<256x1xf32>
      %mul3A_59 = arith.mulf %while3A_29, %exp3A_58 : vector<256x1xf32>
      %reduce_sum3A = arith.constant dense<0.000000e+00> : vector<256xf32>
      %reduce_sum3A_60 = vector.multi_reduction <add>, %exp3A, %reduce_sum3A [1] : vector<256x256xf32> to vector<256xf32>
      %broadcast_in_dim3A_61 = vector.shape_cast %reduce_sum3A_60 : vector<256xf32> to vector<256x1xf32>
      %add3A_62 = arith.addf %mul3A_59, %broadcast_in_dim3A_61 : vector<256x1xf32>
      %mul3A_63 = vector.broadcast %exp3A_58 : vector<256x1xf32> to vector<256x64xf32>
      %mul3A_64 = arith.mulf %while3A_27, %mul3A_63 : vector<256x64xf32>
      %dot_general3A_65 = arith.constant dense<0.000000e+00> : vector<256x64xf32>
      %dot_general3A_66 = tpu.matmul %exp3A, %get3A_42, %dot_general3A_65 {dimension_numbers = #tpu.dot_dimension_numbers<[1], [0], [0], [1], [0, 0, 1, 1], [], []>, transpose_lhs_hint = false} : vector<256x256xf32>, vector<256x64xf32>, vector<256x64xf32> -> vector<256x64xf32>
      %add3A_67 = arith.addf %mul3A_64, %dot_general3A_66 : vector<256x64xf32>
      scf.yield %add3A_67, %max3A, %add3A_62 : vector<256x64xf32>, vector<256x1xf32>, vector<256x1xf32>
    }
    %div3A = vector.broadcast %while3A_19#2 : vector<256x1xf32> to vector<256x64xf32>
    %div3A_20 = arith.divf %while3A_19#0, %div3A : vector<256x64xf32>
    %swap3A = arith.constant 0 : index
    %swap3A_21 = arith.constant 0 : index
    %swap3A_22 = arith.constant 0 : index
    %swap3A_23 = vector.load %arg5[%swap3A, %swap3A_21, %swap3A_22] : memref<1x256x64xf32, #tpu.memory_space<vmem>>, vector<1x256x64xf32>
    %swap3A_24 = vector.shape_cast %swap3A_23 : vector<1x256x64xf32> to vector<256x64xf32>
    %swap3A_25 = vector.shape_cast %div3A_20 : vector<256x64xf32> to vector<1x256x64xf32>
    tpu.vector_store %arg5[%swap3A, %swap3A_21, %swap3A_22], %swap3A_25 {strides = array<i32>} : memref<1x256x64xf32, #tpu.memory_space<vmem>>, vector<1x256x64xf32>,
    return
  }
  func.func @transform_0(%arg0: i32, %arg1: i32) -> (i32, i32, i32) {
    %c0_i32 = arith.constant 0 : i32
    %c0_i32_0 = arith.constant 0 : i32
    return %arg0, %arg1, %c0_i32 : i32, i32, i32
  }
  func.func @transform_1(%arg0: i32, %arg1: i32) -> (i32, i32, i32) {
    %c0_i32 = arith.constant 0 : i32
    %c0_i32_0 = arith.constant 0 : i32
    %c0_i32_1 = arith.constant 0 : i32
    return %arg0, %c0_i32, %c0_i32_0 : i32, i32, i32
  }
  func.func @transform_2(%arg0: i32, %arg1: i32) -> (i32, i32, i32) {
    %c0_i32 = arith.constant 0 : i32
    %c0_i32_0 = arith.constant 0 : i32
    %c0_i32_1 = arith.constant 0 : i32
    return %arg0, %c0_i32, %c0_i32_0 : i32, i32, i32
  }
  func.func @transform_3(%arg0: i32, %arg1: i32) -> (i32, i32, i32) {
    %c0_i32 = arith.constant 0 : i32
    %c0_i32_0 = arith.constant 0 : i32
    return %arg0, %arg1, %c0_i32 : i32, i32, i32
  }
}

module attributes {stable_mosaic.version = 14 : i64} {
  func.func @_post_body(%arg0: i32, %arg1: memref<256x768xf32, #tpu.memory_space<vmem>>, %arg2: memref<256x768xf32, #tpu.memory_space<vmem>>, %arg3: memref<768x768xf32, #tpu.memory_space<vmem>>, %arg4: memref<1x768xf32, #tpu.memory_space<vmem>>, %arg5: memref<1x768xf32, #tpu.memory_space<vmem>>, %arg6: memref<768x256xf32, #tpu.memory_space<vmem>>, %arg7: memref<256x64xf32, #tpu.memory_space<vmem>>, %arg8: memref<256x768xf32, #tpu.memory_space<vmem>>, %arg9: memref<256x768xf32, #tpu.memory_space<vmem>>, %arg10: memref<64x256xf32, #tpu.memory_space<vmem>>) attributes {dimension_semantics = [#tpu.dimension_semantics<arbitrary>], iteration_bounds = array<i64: 8>, scalar_prefetch = 0 : i64, scratch_operands = 0 : i64, tpu.core_type = #tpu.core_type<tc>, window_params = [{transform_indices = @transform_0, window_bounds = array<i64: 256, 768>}, {transform_indices = @transform_1, window_bounds = array<i64: 256, 768>}, {pipeline_mode = #tpu.pipeline_mode<synchronous>, transform_indices = @transform_2, window_bounds = array<i64: 768, 768>}, {pipeline_mode = #tpu.pipeline_mode<synchronous>, transform_indices = @transform_3, window_bounds = array<i64: 1, 768>}, {pipeline_mode = #tpu.pipeline_mode<synchronous>, transform_indices = @transform_4, window_bounds = array<i64: 1, 768>}, {pipeline_mode = #tpu.pipeline_mode<synchronous>, transform_indices = @transform_5, window_bounds = array<i64: 768, 256>}, {pipeline_mode = #tpu.pipeline_mode<synchronous>, transform_indices = @transform_6, window_bounds = array<i64: 256, 64>}, {transform_indices = @transform_7, window_bounds = array<i64: 256, 768>}, {transform_indices = @transform_8, window_bounds = array<i64: 256, 768>}, {transform_indices = @transform_9, window_bounds = array<i64: 64, 256>}]} {
    %get3A = arith.constant 0 : index
    %get3A_0 = arith.constant 0 : index
    %get3A_1 = vector.load %arg1[%get3A, %get3A_0] : memref<256x768xf32, #tpu.memory_space<vmem>>, vector<256x768xf32>
    %get3A_2 = arith.constant 0 : index
    %get3A_3 = arith.constant 0 : index
    %get3A_4 = vector.load %arg2[%get3A_2, %get3A_3] : memref<256x768xf32, #tpu.memory_space<vmem>>, vector<256x768xf32>
    %get3A_5 = arith.constant 0 : index
    %get3A_6 = arith.constant 0 : index
    %get3A_7 = vector.load %arg3[%get3A_5, %get3A_6] : memref<768x768xf32, #tpu.memory_space<vmem>>, vector<768x768xf32>
    %dot_general3A = arith.constant dense<0.000000e+00> : vector<256x768xf32>
    %dot_general3A_8 = tpu.matmul %get3A_4, %get3A_7, %dot_general3A {dimension_numbers = #tpu.dot_dimension_numbers<[1], [0], [0], [1], [0, 0, 1, 1], [], []>, transpose_lhs_hint = false} : vector<256x768xf32>, vector<768x768xf32>, vector<256x768xf32> -> vector<256x768xf32>
    %add3A = arith.addf %get3A_1, %dot_general3A_8 : vector<256x768xf32>
    %swap3A = arith.constant 0 : index
    %swap3A_9 = arith.constant 0 : index
    %swap3A_10 = vector.load %arg8[%swap3A, %swap3A_9] : memref<256x768xf32, #tpu.memory_space<vmem>>, vector<256x768xf32>
    tpu.vector_store %arg8[%swap3A, %swap3A_9], %add3A {strides = array<i32>} : memref<256x768xf32, #tpu.memory_space<vmem>>, vector<256x768xf32>,
    %reduce_sum3A = arith.constant dense<0.000000e+00> : vector<256xf32>
    %reduce_sum3A_11 = vector.multi_reduction <add>, %add3A, %reduce_sum3A [1] : vector<256x768xf32> to vector<256xf32>
    %broadcast_in_dim3A = vector.shape_cast %reduce_sum3A_11 : vector<256xf32> to vector<256x1xf32>
    %div3A = arith.constant 7.680000e+02 : f32
    %div3A_12 = vector.broadcast %div3A : f32 to vector<256x1xf32>
    %div3A_13 = arith.divf %broadcast_in_dim3A, %div3A_12 : vector<256x1xf32>
    %sub3A = vector.broadcast %div3A_13 : vector<256x1xf32> to vector<256x768xf32>
    %sub3A_14 = arith.subf %add3A, %sub3A : vector<256x768xf32>
    %integer_pow3A = arith.mulf %sub3A_14, %sub3A_14 : vector<256x768xf32>
    %reduce_sum3A_15 = arith.constant dense<0.000000e+00> : vector<256xf32>
    %reduce_sum3A_16 = vector.multi_reduction <add>, %integer_pow3A, %reduce_sum3A_15 [1] : vector<256x768xf32> to vector<256xf32>
    %broadcast_in_dim3A_17 = vector.shape_cast %reduce_sum3A_16 : vector<256xf32> to vector<256x1xf32>
    %div3A_18 = arith.constant 7.680000e+02 : f32
    %div3A_19 = vector.broadcast %div3A_18 : f32 to vector<256x1xf32>
    %div3A_20 = arith.divf %broadcast_in_dim3A_17, %div3A_19 : vector<256x1xf32>
    %sub3A_21 = vector.broadcast %div3A_13 : vector<256x1xf32> to vector<256x768xf32>
    %sub3A_22 = arith.subf %add3A, %sub3A_21 : vector<256x768xf32>
    %add3A_23 = arith.constant 9.99999974E-6 : f32
    %add3A_24 = vector.broadcast %add3A_23 : f32 to vector<256x1xf32>
    %add3A_25 = arith.addf %div3A_20, %add3A_24 : vector<256x1xf32>
    %rsqrt3A = math.rsqrt %add3A_25 : vector<256x1xf32>
    %mul3A = vector.broadcast %rsqrt3A : vector<256x1xf32> to vector<256x768xf32>
    %mul3A_26 = arith.mulf %sub3A_22, %mul3A : vector<256x768xf32>
    %get3A_27 = arith.constant 0 : index
    %get3A_28 = arith.constant 0 : index
    %get3A_29 = vector.load %arg4[%get3A_27, %get3A_28] : memref<1x768xf32, #tpu.memory_space<vmem>>, vector<1x768xf32>
    %mul3A_30 = vector.broadcast %get3A_29 : vector<1x768xf32> to vector<256x768xf32>
    %mul3A_31 = arith.mulf %mul3A_26, %mul3A_30 : vector<256x768xf32>
    %get3A_32 = arith.constant 0 : index
    %get3A_33 = arith.constant 0 : index
    %get3A_34 = vector.load %arg5[%get3A_32, %get3A_33] : memref<1x768xf32, #tpu.memory_space<vmem>>, vector<1x768xf32>
    %add3A_35 = vector.broadcast %get3A_34 : vector<1x768xf32> to vector<256x768xf32>
    %add3A_36 = arith.addf %mul3A_31, %add3A_35 : vector<256x768xf32>
    %swap3A_37 = arith.constant 0 : index
    %swap3A_38 = arith.constant 0 : index
    %swap3A_39 = vector.load %arg9[%swap3A_37, %swap3A_38] : memref<256x768xf32, #tpu.memory_space<vmem>>, vector<256x768xf32>
    tpu.vector_store %arg9[%swap3A_37, %swap3A_38], %add3A_36 {strides = array<i32>} : memref<256x768xf32, #tpu.memory_space<vmem>>, vector<256x768xf32>,
    %get3A_40 = arith.constant 0 : index
    %get3A_41 = arith.constant 0 : index
    %get3A_42 = vector.load %arg6[%get3A_40, %get3A_41] : memref<768x256xf32, #tpu.memory_space<vmem>>, vector<768x256xf32>
    %dot_general3A_43 = arith.constant dense<0.000000e+00> : vector<256x256xf32>
    %dot_general3A_44 = tpu.matmul %add3A_36, %get3A_42, %dot_general3A_43 {dimension_numbers = #tpu.dot_dimension_numbers<[1], [0], [0], [1], [0, 0, 1, 1], [], []>, transpose_lhs_hint = false} : vector<256x768xf32>, vector<768x256xf32>, vector<256x256xf32> -> vector<256x256xf32>
    %tanh3A = math.tanh %dot_general3A_44 : vector<256x256xf32>
    %get3A_45 = arith.constant 0 : index
    %get3A_46 = arith.constant 0 : index
    %get3A_47 = vector.load %arg7[%get3A_45, %get3A_46] : memref<256x64xf32, #tpu.memory_space<vmem>>, vector<256x64xf32>
    %dot_general3A_48 = arith.constant dense<0.000000e+00> : vector<64x256xf32>
    %dot_general3A_49 = tpu.matmul %get3A_47, %tanh3A, %dot_general3A_48 {dimension_numbers = #tpu.dot_dimension_numbers<[0], [1], [1], [0], [0, 1, 1, 0], [], []>, transpose_lhs_hint = false} : vector<256x64xf32>, vector<256x256xf32>, vector<64x256xf32> -> vector<64x256xf32>
    %swap3A_50 = arith.constant 0 : index
    %swap3A_51 = arith.constant 0 : index
    %swap3A_52 = vector.load %arg10[%swap3A_50, %swap3A_51] : memref<64x256xf32, #tpu.memory_space<vmem>>, vector<64x256xf32>
    tpu.vector_store %arg10[%swap3A_50, %swap3A_51], %dot_general3A_49 {strides = array<i32>} : memref<64x256xf32, #tpu.memory_space<vmem>>, vector<64x256xf32>,
    return
  }
  func.func @transform_0(%arg0: i32) -> (i32, i32) {
    %c0_i32 = arith.constant 0 : i32
    %c0_i32_0 = arith.constant 0 : i32
    return %arg0, %c0_i32 : i32, i32
  }
  func.func @transform_1(%arg0: i32) -> (i32, i32) {
    %c0_i32 = arith.constant 0 : i32
    %c0_i32_0 = arith.constant 0 : i32
    return %arg0, %c0_i32 : i32, i32
  }
  func.func @transform_2(%arg0: i32) -> (i32, i32) {
    %c0_i32 = arith.constant 0 : i32
    %c0_i32_0 = arith.constant 0 : i32
    %c0_i32_1 = arith.constant 0 : i32
    return %c0_i32, %c0_i32_0 : i32, i32
  }
  func.func @transform_3(%arg0: i32) -> (i32, i32) {
    %c0_i32 = arith.constant 0 : i32
    %c0_i32_0 = arith.constant 0 : i32
    %c0_i32_1 = arith.constant 0 : i32
    return %c0_i32, %c0_i32_0 : i32, i32
  }
  func.func @transform_4(%arg0: i32) -> (i32, i32) {
    %c0_i32 = arith.constant 0 : i32
    %c0_i32_0 = arith.constant 0 : i32
    %c0_i32_1 = arith.constant 0 : i32
    return %c0_i32, %c0_i32_0 : i32, i32
  }
  func.func @transform_5(%arg0: i32) -> (i32, i32) {
    %c0_i32 = arith.constant 0 : i32
    %c0_i32_0 = arith.constant 0 : i32
    %c0_i32_1 = arith.constant 0 : i32
    return %c0_i32, %c0_i32_0 : i32, i32
  }
  func.func @transform_6(%arg0: i32) -> (i32, i32) {
    %c0_i32 = arith.constant 0 : i32
    %c0_i32_0 = arith.constant 0 : i32
    %c0_i32_1 = arith.constant 0 : i32
    return %c0_i32, %c0_i32_0 : i32, i32
  }
  func.func @transform_7(%arg0: i32) -> (i32, i32) {
    %c0_i32 = arith.constant 0 : i32
    %c0_i32_0 = arith.constant 0 : i32
    return %arg0, %c0_i32 : i32, i32
  }
  func.func @transform_8(%arg0: i32) -> (i32, i32) {
    %c0_i32 = arith.constant 0 : i32
    %c0_i32_0 = arith.constant 0 : i32
    return %arg0, %c0_i32 : i32, i32
  }
  func.func @transform_9(%arg0: i32) -> (i32, i32) {
    %c0_i32 = arith.constant 0 : i32
    %c0_i32_0 = arith.constant 0 : i32
    return %c0_i32, %arg0 : i32, i32
  }
}

module attributes {stable_mosaic.version = 14 : i64} {
  func.func @_route_body(%arg0: i32, %arg1: memref<64x256xf32, #tpu.memory_space<vmem>>, %arg2: memref<1x1x256xi32, #tpu.memory_space<vmem>>, %arg3: memref<1x1x256xi32, #tpu.memory_space<vmem>>, %arg4: memref<1x1x256xi32, #tpu.memory_space<vmem>>, %arg5: memref<1x1x256xi32, #tpu.memory_space<vmem>>, %arg6: memref<1x1x256xf32, #tpu.memory_space<vmem>>, %arg7: memref<1x1x256xf32, #tpu.memory_space<vmem>>, %arg8: memref<64x128xf32, #tpu.memory_space<vmem>>) attributes {dimension_semantics = [#tpu.dimension_semantics<arbitrary>], iteration_bounds = array<i64: 8>, scalar_prefetch = 0 : i64, scratch_operands = 1 : i64, tpu.core_type = #tpu.core_type<tc>, window_params = [{transform_indices = @transform_0, window_bounds = array<i64: 64, 256>}, {transform_indices = @transform_1, window_bounds = array<i64: 1, 1, 256>}, {transform_indices = @transform_2, window_bounds = array<i64: 1, 1, 256>}, {transform_indices = @transform_3, window_bounds = array<i64: 1, 1, 256>}, {transform_indices = @transform_4, window_bounds = array<i64: 1, 1, 256>}, {transform_indices = @transform_5, window_bounds = array<i64: 1, 1, 256>}, {transform_indices = @transform_6, window_bounds = array<i64: 1, 1, 256>}]} {
    %eq3A = arith.constant 0 : i32
    %eq3A_0 = arith.cmpi eq, %arg0, %eq3A : i32
    %convert_element_type3A = arith.extui %eq3A_0 : i1 to i32
    %cond3A = arith.constant 0 : i32
    %cond3A_1 = arith.cmpi ne, %convert_element_type3A, %cond3A : i32
    scf.if %cond3A_1 {
      %broadcast_in_dim3A_129 = arith.constant 0.000000e+00 : f32
      %broadcast_in_dim3A_130 = vector.broadcast %broadcast_in_dim3A_129 : f32 to vector<64x128xf32>
      %swap3A_131 = arith.constant 0 : index
      %swap3A_132 = arith.constant 0 : index
      %swap3A_133 = vector.load %arg8[%swap3A_131, %swap3A_132] : memref<64x128xf32, #tpu.memory_space<vmem>>, vector<64x128xf32>
      tpu.vector_store %arg8[%swap3A_131, %swap3A_132], %broadcast_in_dim3A_130 {strides = array<i32>} : memref<64x128xf32, #tpu.memory_space<vmem>>, vector<64x128xf32>,
    } else {
    }
    %get3A = arith.constant 0 : index
    %get3A_2 = arith.constant 0 : index
    %get3A_3 = vector.load %arg1[%get3A, %get3A_2] : memref<64x256xf32, #tpu.memory_space<vmem>>, vector<64x256xf32>
    %iota3A = tpu.iota {dimensions = array<i32: 0>} : vector<64x256xi32>
    %reduce_max3A = arith.constant dense<0xFF800000> : vector<256xf32>
    %reduce_max3A_4 = vector.multi_reduction <maximumf>, %get3A_3, %reduce_max3A [0] : vector<64x256xf32> to vector<256xf32>
    %broadcast_in_dim3A = vector.shape_cast %reduce_max3A_4 : vector<256xf32> to vector<1x256xf32>
    %eq3A_5 = vector.broadcast %broadcast_in_dim3A : vector<1x256xf32> to vector<64x256xf32>
    %eq3A_6 = arith.cmpf oeq, %get3A_3, %eq3A_5 : vector<64x256xf32>
    %jit3A = arith.constant 64 : i32
    %broadcast_in_dim3A_7 = vector.broadcast %jit3A : i32 to vector<64x256xi32>
    %select_n3A = arith.select %eq3A_6, %iota3A, %broadcast_in_dim3A_7 : vector<64x256xi1>, vector<64x256xi32>
    %reduce_min3A = arith.constant dense<2147483647> : vector<256xi32>
    %reduce_min3A_8 = vector.multi_reduction <minsi>, %select_n3A, %reduce_min3A [0] : vector<64x256xi32> to vector<256xi32>
    %broadcast_in_dim3A_9 = vector.shape_cast %reduce_min3A_8 : vector<256xi32> to vector<1x256xi32>
    %eq3A_10 = vector.broadcast %broadcast_in_dim3A_9 : vector<1x256xi32> to vector<64x256xi32>
    %eq3A_11 = arith.cmpi eq, %iota3A, %eq3A_10 : vector<64x256xi32>
    %jit3A_12 = arith.constant -1.000000e+30 : f32
    %broadcast_in_dim3A_13 = vector.broadcast %jit3A_12 : f32 to vector<64x256xf32>
    %select_n3A_14 = arith.select %eq3A_11, %broadcast_in_dim3A_13, %get3A_3 : vector<64x256xi1>, vector<64x256xf32>
    %reduce_max3A_15 = arith.constant dense<0xFF800000> : vector<256xf32>
    %reduce_max3A_16 = vector.multi_reduction <maximumf>, %select_n3A_14, %reduce_max3A_15 [0] : vector<64x256xf32> to vector<256xf32>
    %broadcast_in_dim3A_17 = vector.shape_cast %reduce_max3A_16 : vector<256xf32> to vector<1x256xf32>
    %eq3A_18 = vector.broadcast %broadcast_in_dim3A_17 : vector<1x256xf32> to vector<64x256xf32>
    %eq3A_19 = arith.cmpf oeq, %select_n3A_14, %eq3A_18 : vector<64x256xf32>
    %jit3A_20 = arith.constant 64 : i32
    %broadcast_in_dim3A_21 = vector.broadcast %jit3A_20 : i32 to vector<64x256xi32>
    %select_n3A_22 = arith.select %eq3A_19, %iota3A, %broadcast_in_dim3A_21 : vector<64x256xi1>, vector<64x256xi32>
    %reduce_min3A_23 = arith.constant dense<2147483647> : vector<256xi32>
    %reduce_min3A_24 = vector.multi_reduction <minsi>, %select_n3A_22, %reduce_min3A_23 [0] : vector<64x256xi32> to vector<256xi32>
    %broadcast_in_dim3A_25 = vector.shape_cast %reduce_min3A_24 : vector<256xi32> to vector<1x256xi32>
    %eq3A_26 = vector.broadcast %broadcast_in_dim3A_25 : vector<1x256xi32> to vector<64x256xi32>
    %eq3A_27 = arith.cmpi eq, %iota3A, %eq3A_26 : vector<64x256xi32>
    %sub3A = arith.subf %broadcast_in_dim3A_17, %broadcast_in_dim3A : vector<1x256xf32>
    %exp3A = math.exp %sub3A : vector<1x256xf32>
    %add3A = arith.constant 1.000000e+00 : f32
    %add3A_28 = vector.broadcast %add3A : f32 to vector<1x256xf32>
    %add3A_29 = arith.addf %add3A_28, %exp3A : vector<1x256xf32>
    %div3A = arith.constant 1.000000e+00 : f32
    %div3A_30 = vector.broadcast %div3A : f32 to vector<1x256xf32>
    %div3A_31 = arith.divf %div3A_30, %add3A_29 : vector<1x256xf32>
    %add3A_32 = arith.constant 1.000000e+00 : f32
    %add3A_33 = vector.broadcast %add3A_32 : f32 to vector<1x256xf32>
    %add3A_34 = arith.addf %add3A_33, %exp3A : vector<1x256xf32>
    %div3A_35 = arith.divf %exp3A, %add3A_34 : vector<1x256xf32>
    %convert_element_type3A_36 = arith.extui %eq3A_11 : vector<64x256xi1> to vector<64x256xi32>
    %convert_element_type3A_37 = arith.sitofp %convert_element_type3A_36 : vector<64x256xi32> to vector<64x256xf32>
    %convert_element_type3A_38 = arith.extui %eq3A_27 : vector<64x256xi1> to vector<64x256xi32>
    %convert_element_type3A_39 = arith.sitofp %convert_element_type3A_38 : vector<64x256xi32> to vector<64x256xf32>
    %add3A_40 = arith.addf %convert_element_type3A_37, %convert_element_type3A_39 : vector<64x256xf32>
    %iota3A_41 = tpu.iota {dimensions = array<i32: 0>} : vector<256x256xi32>
    %iota3A_42 = tpu.iota {dimensions = array<i32: 1>} : vector<256x256xi32>
    %lt3A = arith.cmpi slt, %iota3A_41, %iota3A_42 : vector<256x256xi32>
    %convert_element_type3A_43 = arith.extui %lt3A : vector<256x256xi1> to vector<256x256xi32>
    %convert_element_type3A_44 = arith.sitofp %convert_element_type3A_43 : vector<256x256xi32> to vector<256x256xf32>
    %dot_general3A = arith.constant dense<0.000000e+00> : vector<64x256xf32>
    %dot_general3A_45 = tpu.matmul %add3A_40, %convert_element_type3A_44, %dot_general3A {dimension_numbers = #tpu.dot_dimension_numbers<[1], [0], [0], [1], [0, 0, 1, 1], [], []>, transpose_lhs_hint = false} : vector<64x256xf32>, vector<256x256xf32>, vector<64x256xf32> -> vector<64x256xf32>
    %get3A_46 = arith.constant 0 : index
    %get3A_47 = arith.constant 0 : index
    %get3A_48 = vector.load %arg8[%get3A_46, %get3A_47] : memref<64x128xf32, #tpu.memory_space<vmem>>, vector<64x1xf32>
    %add3A_49 = vector.broadcast %get3A_48 : vector<64x1xf32> to vector<64x256xf32>
    %add3A_50 = arith.addf %add3A_49, %dot_general3A_45 : vector<64x256xf32>
    %convert_element_type3A_51 = arith.extui %eq3A_11 : vector<64x256xi1> to vector<64x256xi32>
    %convert_element_type3A_52 = arith.sitofp %convert_element_type3A_51 : vector<64x256xi32> to vector<64x256xf32>
    %mul3A = arith.mulf %convert_element_type3A_52, %add3A_50 : vector<64x256xf32>
    %reduce_sum3A = arith.constant dense<0.000000e+00> : vector<256xf32>
    %reduce_sum3A_53 = vector.multi_reduction <add>, %mul3A, %reduce_sum3A [0] : vector<64x256xf32> to vector<256xf32>
    %broadcast_in_dim3A_54 = vector.shape_cast %reduce_sum3A_53 : vector<256xf32> to vector<1x256xf32>
    %convert_element_type3A_55 = arith.extui %eq3A_27 : vector<64x256xi1> to vector<64x256xi32>
    %convert_element_type3A_56 = arith.sitofp %convert_element_type3A_55 : vector<64x256xi32> to vector<64x256xf32>
    %mul3A_57 = arith.mulf %convert_element_type3A_56, %add3A_50 : vector<64x256xf32>
    %reduce_sum3A_58 = arith.constant dense<0.000000e+00> : vector<256xf32>
    %reduce_sum3A_59 = vector.multi_reduction <add>, %mul3A_57, %reduce_sum3A_58 [0] : vector<64x256xf32> to vector<256xf32>
    %broadcast_in_dim3A_60 = vector.shape_cast %reduce_sum3A_59 : vector<256xf32> to vector<1x256xf32>
    %reduce_sum3A_61 = arith.constant dense<0.000000e+00> : vector<64xf32>
    %reduce_sum3A_62 = vector.multi_reduction <add>, %add3A_40, %reduce_sum3A_61 [1] : vector<64x256xf32> to vector<64xf32>
    %broadcast_in_dim3A_63 = vector.shape_cast %reduce_sum3A_62 : vector<64xf32> to vector<64x1xf32>
    %add3A_64 = arith.addf %get3A_48, %broadcast_in_dim3A_63 : vector<64x1xf32>
    %swap3A = arith.constant 0 : index
    %swap3A_65 = arith.constant 0 : index
    %swap3A_66 = vector.load %arg8[%swap3A, %swap3A_65] : memref<64x128xf32, #tpu.memory_space<vmem>>, vector<64x1xf32>
    tpu.vector_store %arg8[%swap3A, %swap3A_65], %add3A_64 {strides = array<i32>} : memref<64x128xf32, #tpu.memory_space<vmem>>, vector<64x1xf32>,
    %lt3A_67 = arith.constant 1.280000e+02 : f32
    %lt3A_68 = vector.broadcast %lt3A_67 : f32 to vector<1x256xf32>
    %lt3A_69 = arith.cmpf olt, %broadcast_in_dim3A_54, %lt3A_68 : vector<1x256xf32>
    %lt3A_70 = arith.constant 1.280000e+02 : f32
    %lt3A_71 = vector.broadcast %lt3A_70 : f32 to vector<1x256xf32>
    %lt3A_72 = arith.cmpf olt, %broadcast_in_dim3A_60, %lt3A_71 : vector<1x256xf32>
    %min3A = arith.constant 1.270000e+02 : f32
    %min3A_73 = vector.broadcast %min3A : f32 to vector<1x256xf32>
    %min3A_74 = arith.minimumf %broadcast_in_dim3A_54, %min3A_73 : vector<1x256xf32>
    %convert_element_type3A_75 = arith.fptosi %min3A_74 : vector<1x256xf32> to vector<1x256xi32>
    %min3A_76 = arith.constant 1.270000e+02 : f32
    %min3A_77 = vector.broadcast %min3A_76 : f32 to vector<1x256xf32>
    %min3A_78 = arith.minimumf %broadcast_in_dim3A_60, %min3A_77 : vector<1x256xf32>
    %convert_element_type3A_79 = arith.fptosi %min3A_78 : vector<1x256xf32> to vector<1x256xi32>
    %mul3A_80 = arith.constant 128 : i32
    %mul3A_81 = vector.broadcast %mul3A_80 : i32 to vector<1x256xi32>
    %mul3A_82 = arith.muli %broadcast_in_dim3A_9, %mul3A_81 : vector<1x256xi32>
    %add3A_83 = arith.addi %mul3A_82, %convert_element_type3A_75 : vector<1x256xi32>
    %mul3A_84 = arith.constant 128 : i32
    %mul3A_85 = vector.broadcast %mul3A_84 : i32 to vector<1x256xi32>
    %mul3A_86 = arith.muli %broadcast_in_dim3A_25, %mul3A_85 : vector<1x256xi32>
    %add3A_87 = arith.addi %mul3A_86, %convert_element_type3A_79 : vector<1x256xi32>
    %jit3A_88 = arith.constant 8192 : i32
    %broadcast_in_dim3A_89 = vector.broadcast %jit3A_88 : i32 to vector<1x256xi32>
    %select_n3A_90 = arith.select %lt3A_69, %add3A_83, %broadcast_in_dim3A_89 : vector<1x256xi1>, vector<1x256xi32>
    %reshape3A = vector.shape_cast %select_n3A_90 : vector<1x256xi32> to vector<1x1x256xi32>
    %swap3A_91 = arith.constant 0 : index
    %swap3A_92 = arith.constant 0 : index
    %swap3A_93 = arith.constant 0 : index
    %swap3A_94 = vector.load %arg2[%swap3A_91, %swap3A_92, %swap3A_93] : memref<1x1x256xi32, #tpu.memory_space<vmem>>, vector<1x1x256xi32>
    tpu.vector_store %arg2[%swap3A_91, %swap3A_92, %swap3A_93], %reshape3A {strides = array<i32>} : memref<1x1x256xi32, #tpu.memory_space<vmem>>, vector<1x1x256xi32>,
    %jit3A_95 = arith.constant 8192 : i32
    %broadcast_in_dim3A_96 = vector.broadcast %jit3A_95 : i32 to vector<1x256xi32>
    %select_n3A_97 = arith.select %lt3A_72, %add3A_87, %broadcast_in_dim3A_96 : vector<1x256xi1>, vector<1x256xi32>
    %reshape3A_98 = vector.shape_cast %select_n3A_97 : vector<1x256xi32> to vector<1x1x256xi32>
    %swap3A_99 = arith.constant 0 : index
    %swap3A_100 = arith.constant 0 : index
    %swap3A_101 = arith.constant 0 : index
    %swap3A_102 = vector.load %arg3[%swap3A_99, %swap3A_100, %swap3A_101] : memref<1x1x256xi32, #tpu.memory_space<vmem>>, vector<1x1x256xi32>
    tpu.vector_store %arg3[%swap3A_99, %swap3A_100, %swap3A_101], %reshape3A_98 {strides = array<i32>} : memref<1x1x256xi32, #tpu.memory_space<vmem>>, vector<1x1x256xi32>,
    %reshape3A_103 = vector.shape_cast %add3A_83 : vector<1x256xi32> to vector<1x1x256xi32>
    %swap3A_104 = arith.constant 0 : index
    %swap3A_105 = arith.constant 0 : index
    %swap3A_106 = arith.constant 0 : index
    %swap3A_107 = vector.load %arg4[%swap3A_104, %swap3A_105, %swap3A_106] : memref<1x1x256xi32, #tpu.memory_space<vmem>>, vector<1x1x256xi32>
    tpu.vector_store %arg4[%swap3A_104, %swap3A_105, %swap3A_106], %reshape3A_103 {strides = array<i32>} : memref<1x1x256xi32, #tpu.memory_space<vmem>>, vector<1x1x256xi32>,
    %reshape3A_108 = vector.shape_cast %add3A_87 : vector<1x256xi32> to vector<1x1x256xi32>
    %swap3A_109 = arith.constant 0 : index
    %swap3A_110 = arith.constant 0 : index
    %swap3A_111 = arith.constant 0 : index
    %swap3A_112 = vector.load %arg5[%swap3A_109, %swap3A_110, %swap3A_111] : memref<1x1x256xi32, #tpu.memory_space<vmem>>, vector<1x1x256xi32>
    tpu.vector_store %arg5[%swap3A_109, %swap3A_110, %swap3A_111], %reshape3A_108 {strides = array<i32>} : memref<1x1x256xi32, #tpu.memory_space<vmem>>, vector<1x1x256xi32>,
    %convert_element_type3A_113 = arith.extui %lt3A_69 : vector<1x256xi1> to vector<1x256xi32>
    %convert_element_type3A_114 = arith.sitofp %convert_element_type3A_113 : vector<1x256xi32> to vector<1x256xf32>
    %mul3A_115 = arith.mulf %div3A_31, %convert_element_type3A_114 : vector<1x256xf32>
    %reshape3A_116 = vector.shape_cast %mul3A_115 : vector<1x256xf32> to vector<1x1x256xf32>
    %swap3A_117 = arith.constant 0 : index
    %swap3A_118 = arith.constant 0 : index
    %swap3A_119 = arith.constant 0 : index
    %swap3A_120 = vector.load %arg6[%swap3A_117, %swap3A_118, %swap3A_119] : memref<1x1x256xf32, #tpu.memory_space<vmem>>, vector<1x1x256xf32>
    tpu.vector_store %arg6[%swap3A_117, %swap3A_118, %swap3A_119], %reshape3A_116 {strides = array<i32>} : memref<1x1x256xf32, #tpu.memory_space<vmem>>, vector<1x1x256xf32>,
    %convert_element_type3A_121 = arith.extui %lt3A_72 : vector<1x256xi1> to vector<1x256xi32>
    %convert_element_type3A_122 = arith.sitofp %convert_element_type3A_121 : vector<1x256xi32> to vector<1x256xf32>
    %mul3A_123 = arith.mulf %div3A_35, %convert_element_type3A_122 : vector<1x256xf32>
    %reshape3A_124 = vector.shape_cast %mul3A_123 : vector<1x256xf32> to vector<1x1x256xf32>
    %swap3A_125 = arith.constant 0 : index
    %swap3A_126 = arith.constant 0 : index
    %swap3A_127 = arith.constant 0 : index
    %swap3A_128 = vector.load %arg7[%swap3A_125, %swap3A_126, %swap3A_127] : memref<1x1x256xf32, #tpu.memory_space<vmem>>, vector<1x1x256xf32>
    tpu.vector_store %arg7[%swap3A_125, %swap3A_126, %swap3A_127], %reshape3A_124 {strides = array<i32>} : memref<1x1x256xf32, #tpu.memory_space<vmem>>, vector<1x1x256xf32>,
    return
  }
  func.func @transform_0(%arg0: i32) -> (i32, i32) {
    %c0_i32 = arith.constant 0 : i32
    %c0_i32_0 = arith.constant 0 : i32
    return %c0_i32, %arg0 : i32, i32
  }
  func.func @transform_1(%arg0: i32) -> (i32, i32, i32) {
    %c0_i32 = arith.constant 0 : i32
    %c0_i32_0 = arith.constant 0 : i32
    %c0_i32_1 = arith.constant 0 : i32
    return %arg0, %c0_i32, %c0_i32_0 : i32, i32, i32
  }
  func.func @transform_2(%arg0: i32) -> (i32, i32, i32) {
    %c0_i32 = arith.constant 0 : i32
    %c0_i32_0 = arith.constant 0 : i32
    %c0_i32_1 = arith.constant 0 : i32
    return %arg0, %c0_i32, %c0_i32_0 : i32, i32, i32
  }
  func.func @transform_3(%arg0: i32) -> (i32, i32, i32) {
    %c0_i32 = arith.constant 0 : i32
    %c0_i32_0 = arith.constant 0 : i32
    %c0_i32_1 = arith.constant 0 : i32
    return %arg0, %c0_i32, %c0_i32_0 : i32, i32, i32
  }
  func.func @transform_4(%arg0: i32) -> (i32, i32, i32) {
    %c0_i32 = arith.constant 0 : i32
    %c0_i32_0 = arith.constant 0 : i32
    %c0_i32_1 = arith.constant 0 : i32
    return %arg0, %c0_i32, %c0_i32_0 : i32, i32, i32
  }
  func.func @transform_5(%arg0: i32) -> (i32, i32, i32) {
    %c0_i32 = arith.constant 0 : i32
    %c0_i32_0 = arith.constant 0 : i32
    %c0_i32_1 = arith.constant 0 : i32
    return %arg0, %c0_i32, %c0_i32_0 : i32, i32, i32
  }
  func.func @transform_6(%arg0: i32) -> (i32, i32, i32) {
    %c0_i32 = arith.constant 0 : i32
    %c0_i32_0 = arith.constant 0 : i32
    %c0_i32_1 = arith.constant 0 : i32
    return %arg0, %c0_i32, %c0_i32_0 : i32, i32, i32
  }
}

module attributes {stable_mosaic.version = 14 : i64} {
  func.func @_ffn_body(%arg0: i32, %arg1: memref<1x128x768xf32, #tpu.memory_space<vmem>>, %arg2: memref<1x768x512xf32, #tpu.memory_space<vmem>>, %arg3: memref<1x512x768xf32, #tpu.memory_space<vmem>>, %arg4: memref<1x128x768xf32, #tpu.memory_space<vmem>>) attributes {dimension_semantics = [#tpu.dimension_semantics<arbitrary>], iteration_bounds = array<i64: 64>, scalar_prefetch = 0 : i64, scratch_operands = 0 : i64, tpu.core_type = #tpu.core_type<tc>, window_params = [{transform_indices = @transform_0, window_bounds = array<i64: 1, 128, 768>}, {transform_indices = @transform_1, window_bounds = array<i64: 1, 768, 512>}, {transform_indices = @transform_2, window_bounds = array<i64: 1, 512, 768>}, {transform_indices = @transform_3, window_bounds = array<i64: 1, 128, 768>}]} {
    %get3A = arith.constant 0 : index
    %get3A_0 = arith.constant 0 : index
    %get3A_1 = arith.constant 0 : index
    %get3A_2 = vector.load %arg1[%get3A, %get3A_0, %get3A_1] : memref<1x128x768xf32, #tpu.memory_space<vmem>>, vector<1x128x768xf32>
    %get3A_3 = vector.shape_cast %get3A_2 : vector<1x128x768xf32> to vector<128x768xf32>
    %get3A_4 = arith.constant 0 : index
    %get3A_5 = arith.constant 0 : index
    %get3A_6 = arith.constant 0 : index
    %get3A_7 = vector.load %arg2[%get3A_4, %get3A_5, %get3A_6] : memref<1x768x512xf32, #tpu.memory_space<vmem>>, vector<1x768x512xf32>
    %get3A_8 = vector.shape_cast %get3A_7 : vector<1x768x512xf32> to vector<768x512xf32>
    %dot_general3A = arith.constant dense<0.000000e+00> : vector<128x512xf32>
    %dot_general3A_9 = tpu.matmul %get3A_3, %get3A_8, %dot_general3A {dimension_numbers = #tpu.dot_dimension_numbers<[1], [0], [0], [1], [0, 0, 1, 1], [], []>, transpose_lhs_hint = false} : vector<128x768xf32>, vector<768x512xf32>, vector<128x512xf32> -> vector<128x512xf32>
    %integer_pow3A = arith.mulf %dot_general3A_9, %dot_general3A_9 : vector<128x512xf32>
    %integer_pow3A_10 = arith.mulf %dot_general3A_9, %integer_pow3A : vector<128x512xf32>
    %mul3A = arith.constant 4.471500e-02 : f32
    %mul3A_11 = vector.broadcast %mul3A : f32 to vector<128x512xf32>
    %mul3A_12 = arith.mulf %mul3A_11, %integer_pow3A_10 : vector<128x512xf32>
    %add3A = arith.addf %dot_general3A_9, %mul3A_12 : vector<128x512xf32>
    %mul3A_13 = arith.constant 0.797884583 : f32
    %mul3A_14 = vector.broadcast %mul3A_13 : f32 to vector<128x512xf32>
    %mul3A_15 = arith.mulf %mul3A_14, %add3A : vector<128x512xf32>
    %tanh3A = math.tanh %mul3A_15 : vector<128x512xf32>
    %add3A_16 = arith.constant 1.000000e+00 : f32
    %add3A_17 = vector.broadcast %add3A_16 : f32 to vector<128x512xf32>
    %add3A_18 = arith.addf %add3A_17, %tanh3A : vector<128x512xf32>
    %mul3A_19 = arith.constant 5.000000e-01 : f32
    %mul3A_20 = vector.broadcast %mul3A_19 : f32 to vector<128x512xf32>
    %mul3A_21 = arith.mulf %mul3A_20, %add3A_18 : vector<128x512xf32>
    %mul3A_22 = arith.mulf %dot_general3A_9, %mul3A_21 : vector<128x512xf32>
    %get3A_23 = arith.constant 0 : index
    %get3A_24 = arith.constant 0 : index
    %get3A_25 = arith.constant 0 : index
    %get3A_26 = vector.load %arg3[%get3A_23, %get3A_24, %get3A_25] : memref<1x512x768xf32, #tpu.memory_space<vmem>>, vector<1x512x768xf32>
    %get3A_27 = vector.shape_cast %get3A_26 : vector<1x512x768xf32> to vector<512x768xf32>
    %dot_general3A_28 = arith.constant dense<0.000000e+00> : vector<128x768xf32>
    %dot_general3A_29 = tpu.matmul %mul3A_22, %get3A_27, %dot_general3A_28 {dimension_numbers = #tpu.dot_dimension_numbers<[1], [0], [0], [1], [0, 0, 1, 1], [], []>, transpose_lhs_hint = false} : vector<128x512xf32>, vector<512x768xf32>, vector<128x768xf32> -> vector<128x768xf32>
    %swap3A = arith.constant 0 : index
    %swap3A_30 = arith.constant 0 : index
    %swap3A_31 = arith.constant 0 : index
    %swap3A_32 = vector.load %arg4[%swap3A, %swap3A_30, %swap3A_31] : memref<1x128x768xf32, #tpu.memory_space<vmem>>, vector<1x128x768xf32>
    %swap3A_33 = vector.shape_cast %swap3A_32 : vector<1x128x768xf32> to vector<128x768xf32>
    %swap3A_34 = vector.shape_cast %dot_general3A_29 : vector<128x768xf32> to vector<1x128x768xf32>
    tpu.vector_store %arg4[%swap3A, %swap3A_30, %swap3A_31], %swap3A_34 {strides = array<i32>} : memref<1x128x768xf32, #tpu.memory_space<vmem>>, vector<1x128x768xf32>,
    return
  }
  func.func @transform_0(%arg0: i32) -> (i32, i32, i32) {
    %c0_i32 = arith.constant 0 : i32
    %c0_i32_0 = arith.constant 0 : i32
    %c0_i32_1 = arith.constant 0 : i32
    return %arg0, %c0_i32, %c0_i32_0 : i32, i32, i32
  }
  func.func @transform_1(%arg0: i32) -> (i32, i32, i32) {
    %c0_i32 = arith.constant 0 : i32
    %c0_i32_0 = arith.constant 0 : i32
    %c0_i32_1 = arith.constant 0 : i32
    return %arg0, %c0_i32, %c0_i32_0 : i32, i32, i32
  }
  func.func @transform_2(%arg0: i32) -> (i32, i32, i32) {
    %c0_i32 = arith.constant 0 : i32
    %c0_i32_0 = arith.constant 0 : i32
    %c0_i32_1 = arith.constant 0 : i32
    return %arg0, %c0_i32, %c0_i32_0 : i32, i32, i32
  }
  func.func @transform_3(%arg0: i32) -> (i32, i32, i32) {
    %c0_i32 = arith.constant 0 : i32
    %c0_i32_0 = arith.constant 0 : i32
    %c0_i32_1 = arith.constant 0 : i32
    return %arg0, %c0_i32, %c0_i32_0 : i32, i32, i32
  }
}

module attributes {stable_mosaic.version = 14 : i64} {
  func.func @_final_body(%arg0: i32, %arg1: memref<256x768xf32, #tpu.memory_space<vmem>>, %arg2: memref<1x256x768xf32, #tpu.memory_space<vmem>>, %arg3: memref<1x256x768xf32, #tpu.memory_space<vmem>>, %arg4: memref<256x1xf32, #tpu.memory_space<vmem>>, %arg5: memref<256x1xf32, #tpu.memory_space<vmem>>, %arg6: memref<256x768xf32, #tpu.memory_space<vmem>>) attributes {dimension_semantics = [#tpu.dimension_semantics<arbitrary>], iteration_bounds = array<i64: 8>, scalar_prefetch = 0 : i64, scratch_operands = 0 : i64, tpu.core_type = #tpu.core_type<tc>, window_params = [{transform_indices = @transform_0, window_bounds = array<i64: 256, 768>}, {transform_indices = @transform_1, window_bounds = array<i64: 1, 256, 768>}, {transform_indices = @transform_2, window_bounds = array<i64: 1, 256, 768>}, {transform_indices = @transform_3, window_bounds = array<i64: 256, 1>}, {transform_indices = @transform_4, window_bounds = array<i64: 256, 1>}, {transform_indices = @transform_5, window_bounds = array<i64: 256, 768>}]} {
    %get3A = arith.constant 0 : index
    %get3A_0 = arith.constant 0 : index
    %get3A_1 = vector.load %arg1[%get3A, %get3A_0] : memref<256x768xf32, #tpu.memory_space<vmem>>, vector<256x768xf32>
    %get3A_2 = arith.constant 0 : index
    %get3A_3 = arith.constant 0 : index
    %get3A_4 = vector.load %arg4[%get3A_2, %get3A_3] : memref<256x1xf32, #tpu.memory_space<vmem>>, vector<256x1xf32>
    %get3A_5 = arith.constant 0 : index
    %get3A_6 = arith.constant 0 : index
    %get3A_7 = arith.constant 0 : index
    %get3A_8 = vector.load %arg2[%get3A_5, %get3A_6, %get3A_7] : memref<1x256x768xf32, #tpu.memory_space<vmem>>, vector<1x256x768xf32>
    %get3A_9 = vector.shape_cast %get3A_8 : vector<1x256x768xf32> to vector<256x768xf32>
    %mul3A = vector.broadcast %get3A_4 : vector<256x1xf32> to vector<256x768xf32>
    %mul3A_10 = arith.mulf %mul3A, %get3A_9 : vector<256x768xf32>
    %add3A = arith.addf %get3A_1, %mul3A_10 : vector<256x768xf32>
    %get3A_11 = arith.constant 0 : index
    %get3A_12 = arith.constant 0 : index
    %get3A_13 = vector.load %arg5[%get3A_11, %get3A_12] : memref<256x1xf32, #tpu.memory_space<vmem>>, vector<256x1xf32>
    %get3A_14 = arith.constant 0 : index
    %get3A_15 = arith.constant 0 : index
    %get3A_16 = arith.constant 0 : index
    %get3A_17 = vector.load %arg3[%get3A_14, %get3A_15, %get3A_16] : memref<1x256x768xf32, #tpu.memory_space<vmem>>, vector<1x256x768xf32>
    %get3A_18 = vector.shape_cast %get3A_17 : vector<1x256x768xf32> to vector<256x768xf32>
    %mul3A_19 = vector.broadcast %get3A_13 : vector<256x1xf32> to vector<256x768xf32>
    %mul3A_20 = arith.mulf %mul3A_19, %get3A_18 : vector<256x768xf32>
    %add3A_21 = arith.addf %add3A, %mul3A_20 : vector<256x768xf32>
    %swap3A = arith.constant 0 : index
    %swap3A_22 = arith.constant 0 : index
    %swap3A_23 = vector.load %arg6[%swap3A, %swap3A_22] : memref<256x768xf32, #tpu.memory_space<vmem>>, vector<256x768xf32>
    tpu.vector_store %arg6[%swap3A, %swap3A_22], %add3A_21 {strides = array<i32>} : memref<256x768xf32, #tpu.memory_space<vmem>>, vector<256x768xf32>,
    return
  }
  func.func @transform_0(%arg0: i32) -> (i32, i32) {
    %c0_i32 = arith.constant 0 : i32
    %c0_i32_0 = arith.constant 0 : i32
    return %arg0, %c0_i32 : i32, i32
  }
  func.func @transform_1(%arg0: i32) -> (i32, i32, i32) {
    %c0_i32 = arith.constant 0 : i32
    %c0_i32_0 = arith.constant 0 : i32
    %c0_i32_1 = arith.constant 0 : i32
    return %c0_i32, %arg0, %c0_i32_0 : i32, i32, i32
  }
  func.func @transform_2(%arg0: i32) -> (i32, i32, i32) {
    %c1_i32 = arith.constant 1 : i32
    %c0_i32 = arith.constant 0 : i32
    %c0_i32_0 = arith.constant 0 : i32
    return %c1_i32, %arg0, %c0_i32 : i32, i32, i32
  }
  func.func @transform_3(%arg0: i32) -> (i32, i32) {
    %c0_i32 = arith.constant 0 : i32
    %c0_i32_0 = arith.constant 0 : i32
    return %arg0, %c0_i32 : i32, i32
  }
  func.func @transform_4(%arg0: i32) -> (i32, i32) {
    %c0_i32 = arith.constant 0 : i32
    %c0_i32_0 = arith.constant 0 : i32
    return %arg0, %c0_i32 : i32, i32
  }
  func.func @transform_5(%arg0: i32) -> (i32, i32) {
    %c0_i32 = arith.constant 0 : i32
    %c0_i32_0 = arith.constant 0 : i32
    return %arg0, %c0_i32 : i32, i32
  }
}

</mosaic_0001>

<sc_bundles>
// kernel: kernel.10.cloned.1.call-start
scs
__scs_entry_jumppad:
0x0: {  	(pc) =	sbr.rel $0x88, $3  }
0x1: {  	(tag) =	ssettag $0x0;
	lr =	simm.s32 $0x1  }
0x2: {  	[smem:$0x3F94] =	sst lr;
	_ =	strace $0xD0000000  }
0x3: {  	_ = 	snop  }
0x4: {  	_ = 	snop  }
0x5: {  	_ = 	snop  }
0x6: {  	_ = 	snop  }
0x7: {  	_ = 	snop  }
__scs_overlays_trampoline_lowered:
0x8: {  	[smem:$0x3FA3] =	sst s0  }
0x9: {  	[smem:$0x3FA4] =	sst s1  }
0xa: {  	[smem:$0x3FA5] =	sst s2  }
0xb: {  	[smem:$0x3FA6] =	sst s3  }
0xc: {  	[smem:$0x3FA7] =	sst s4  }
0xd: {  	[smem:$0x3FA8] =	sst s5  }
0xe: {  	[smem:$0x3FA9] =	sst s6  }
0xf: {  	[smem:$0x3FAA] =	sst s7  }
0x10: {  	[smem:$0x3FAB] =	sst s8  }
0x11: {  	[smem:$0x3FAC] =	sst s9;
	s0 =	simm.s32 @!p0 $0x0  }
0x12: {  	s1 =	sld [smem:$0x3F92];
	s0 =	simm.s32 @p0 $0x1  }
0x13: {  	[smem:$0x3FAD] =	sst s0;
	s0 =	simm.s32 @!p1 $0x0  }
0x14: {  	s2 =	sld [smem:$0x3F91];
	s0 =	simm.s32 @p1 $0x1  }
0x15: {  	[smem:$0x3FAE] =	sst s0;
	s0 =	simm.s32 @!p2 $0x0  }
0x16: {  	s3 =	sld [smem:$0x3FDB];
	s0 =	simm.s32 @p2 $0x1  }
0x17: {  	s4 =	simm.s32 $0x1BF5;
	[smem:$0x3FB0] =	sst s0  }
0x18: {  	s0 =	sld [smem:$0x3F93];
	_ =	swait.ge [sflag:s4], $0x0  }
0x19: {  	s7 =	sld [smem:$0x3F94]  }
0x1a: {  	s8 =	sadd.s32 $0xFFFFE003, lr  }
0x1b: {  	s9 =	sadd.s32 $0xFFFFFEF7, lr;
	s5 =	simm.s32 $0xFFFFFFFF;
	p2 =	slt.u32 s8, $0xFFFFF086  }
0x1c: {  	p1 =	slt.u32 s9, $0xF7A;
	s5 =	simm.s32 @!p2 $0x0  }
0x1d: {  	s5 =	simm.s32 @p1 $0x1;
	p0 =	seq.s32 s7, s2  }
0x1e: {  	s7 =	smul.u32 @!p0 $0xF7A, s2;
	p2 =	seq.s32 @!p0 s5, $0x0  }
0x1f: {  	s9 =	smul.u32 $0xF7A, s1;
	s8 =	simm.s32 @!p0 $0x1BF5;
	p2 =	por !p2, p0  }
0x20: {  	[sflag:s8] =	ssyncset.s32 @!p0 $0xFFFFF086;
	s6 =	sadd.s32 @!p0 s3, s7;
	s7 =	simm.s32 @!p0 $0x108  }
0x21: {  	s3 =	sadd.s32 s3, s9;
	s6 =	sadd.s32 @!p0 $0x88, s6;
	s7 =	simm.s32 @p2 $0x1082  }
0x22: {  	[simem:s7], [sflag:s8] =	dma.local @!p0 [hbm:s6], $0xF7A  }
0x23: {  	s9 =	sor.u32 $0xD0000000, s2;
	s6 =	simm.s32 $0x108;
	_ =	swait.ge @!p0 [sflag:s8], $0x0  }
0x24: {  	s3 =	sadd.s32 $0x88, s3;
	s6 =	simm.s32 @!p1 $0x1082;
	[sflag:s4] =	ssyncset.s32 $0xFFFFF086  }
0x25: {  	[simem:s6], [sflag:s4] =	dma.local [hbm:s3], $0xF7A  }
0x26: {  	[smem:$0x3F94] =	sst s1;
	(tag) =	ssettag s2;
	_ =	strace s9  }
0x27: {  	s1 =	sld [smem:$0x3FA4]  }
0x28: {  	s2 =	sld [smem:$0x3FA5]  }
0x29: {  	s4 =	sld [smem:$0x3FA7]  }
0x2a: {  	p0 =	seq.s32 s5, $0x0;
	s5 =	sld [smem:$0x3FA8]  }
0x2b: {  	s6 =	sld [smem:$0x3FA9]  }
0x2c: {  	s7 =	sld [smem:$0x3FAA]  }
0x2d: {  	s3 =	simm.s32 $0x108;
	s8 =	sld [smem:$0x3FAB]  }
0x2e: {  	s3 =	simm.s32 @!p0 $0x1082;
	s9 =	sld [smem:$0x3FAC]  }
0x2f: {  	lr =	sadd.s32 s0, s3;
	s0 =	sld [smem:$0x3FA3]  }
0x30: {  	s3 =	sld [smem:$0x3FA6]  }
0x31: {  	[smem:$0x3FAF] =	sst s10  }
0x32: {  	s10 =	sld [smem:$0x3FAD];
	_ =	sdelay $0x3  }
0x33: {  	p0 =	seq.s32 s10, $0x1;
	s10 =	sld [smem:$0x3FAF];
	_ =	sdelay $0x3  }
0x34: {  	[smem:$0x3FAF] =	sst s10  }
0x35: {  	s10 =	sld [smem:$0x3FAE];
	_ =	sdelay $0x3  }
0x36: {  	p1 =	seq.s32 s10, $0x1;
	s10 =	sld [smem:$0x3FAF];
	_ =	sdelay $0x3  }
0x37: {  	[smem:$0x3FAF] =	sst s10  }
0x38: {  	s10 =	sld [smem:$0x3FB0]  }
0x39: {  	_ = 	snop;
	(pc) =	sbr.ind lr, $3  }
0x3a: {  	_ = 	snop  }
0x3b: {  	_ = 	snop  }
0x3c: {  	p2 =	seq.s32 s10, $0x1;
	s10 =	sld [smem:$0x3FAF]  }
0x3d: {  	_ =	shalt  }
0x3e: {  	_ =	shalt  }
0x3f: {  	_ =	shalt  }
0x40: {  	_ =	shalt  }
0x41: {  	_ =	shalt  }
0x42: {  	_ =	shalt  }
0x43: {  	_ =	shalt  }
0x44: {  	_ =	shalt  }
0x45: {  	_ =	shalt  }
0x46: {  	_ =	shalt  }
0x47: {  	_ =	shalt  }
0x48: {  	_ =	shalt  }
0x49: {  	_ =	shalt  }
0x4a: {  	_ =	shalt  }
0x4b: {  	_ =	shalt  }
0x4c: {  	_ =	shalt  }
0x4d: {  	_ =	shalt  }
0x4e: {  	_ =	shalt  }
0x4f: {  	_ =	shalt  }
0x50: {  	_ =	shalt  }
0x51: {  	_ =	shalt  }
0x52: {  	_ =	shalt  }
0x53: {  	_ =	shalt  }
0x54: {  	_ =	shalt  }
0x55: {  	_ =	shalt  }
0x56: {  	_ =	shalt  }
0x57: {  	_ =	shalt  }
0x58: {  	_ =	shalt  }
0x59: {  	_ =	shalt  }
0x5a: {  	_ =	shalt  }
0x5b: {  	_ =	shalt  }
0x5c: {  	_ =	shalt  }
0x5d: {  	_ =	shalt  }
0x5e: {  	_ =	shalt  }
0x5f: {  	_ =	shalt  }
0x60: {  	_ =	shalt  }
0x61: {  	_ =	shalt  }
0x62: {  	_ =	shalt  }
0x63: {  	_ =	shalt  }
0x64: {  	_ =	shalt  }
0x65: {  	_ =	shalt  }
0x66: {  	_ =	shalt  }
0x67: {  	_ =	shalt  }
0x68: {  	_ =	shalt  }
0x69: {  	_ =	shalt  }
0x6a: {  	_ =	shalt  }
0x6b: {  	_ =	shalt  }
0x6c: {  	_ =	shalt  }
0x6d: {  	_ =	shalt  }
0x6e: {  	_ =	shalt  }
0x6f: {  	_ =	shalt  }
0x70: {  	_ =	shalt  }
0x71: {  	_ =	shalt  }
0x72: {  	_ =	shalt  }
0x73: {  	_ =	shalt  }
0x74: {  	_ =	shalt  }
0x75: {  	_ =	shalt  }
0x76: {  	_ =	shalt  }
0x77: {  	_ =	shalt  }
0x78: {  	_ =	shalt  }
0x79: {  	_ =	shalt  }
0x7a: {  	_ =	shalt  }
0x7b: {  	_ =	shalt  }
0x7c: {  	_ =	shalt  }
0x7d: {  	_ =	shalt  }
0x7e: {  	_ =	shalt  }
0x7f: {  	_ =	shalt  }
0x80: {  	_ =	shalt  }
0x81: {  	_ =	shalt  }
0x82: {  	_ =	shalt  }
0x83: {  	_ =	shalt  }
0x84: {  	_ =	shalt  }
0x85: {  	_ =	shalt  }
0x86: {  	_ =	shalt  }
0x87: {  	_ =	shalt  }
.Lfunc_end0:
.L_simem_size_0:
called_computation_lowered:
.L_overlay_start_0:
0x88: {  	s2 =	sld [smem:$0x3FD9]  }
0x89: {  	s3 =	sld [smem:$0x3FFE];
	_ =	sdelay $0x1  }
0x8a: {  	s1 =	srdreg.scid  }
0x8b: {  	s0 =	sand.u32 $0x1, s1  }
0x8c: {  	s16 =	sshll.u32 s0, $0xA;
	s2 =	sadd.s32 s3, s2  }
0x8d: {  	s2 =	sadd.s32 s2, s16  }
0x8e: {  	[smem:$0x3FBB] =	sst s2  }
0x8f: {  	_ = 	snop  }
0x90: {  	(tm) =	ssettm $0x1  }
0x91: {  	s17 =	sld [smem:$0x3FFB];
	_ =	sdelay $0x3  }
0x92: {  	_ =	strace s17  }
0x93: {  	s2 =	sld [smem:$0x3FFC];
	_ =	sdelay $0x3  }
0x94: {  	_ =	strace s2  }
0x95: {  	s2 =	sld [smem:$0x3FFD];
	_ =	sdelay $0x3  }
0x96: {  	_ =	strace s2  }
0x97: {  	_ =	strace $0x8FFFFFFF  }
0x98: {  	s18 =	sld [smem:$0x3FDB];
	_ =	sdelay $0x1  }
0x99: {  	s19 =	simm.s32 $_scs_section_size  }
0x9a: {  	s4 =	simm.s32 $_size__tile_overlayer_lowered;
	s5 =	simm.s32 $_tile_overlayer_lowered  }
0x9b: {  	s22 =	simm.s32 $0x1BFF;
	s21 =	sshll.u32 s5, $0x1;
	s2 =	sadd.s32 s19, s18  }
0x9c: {  	s6 =	simm.s32 $0x0;
	s20 =	sshll.u32 s4, $0x1;
	s4 =	sadd.s32 s21, s2  }
0x9d: {  	[timem:s6], [sflag:s22] =	dma.local [hbm:s4], s20  }
0x9e: {  	_ =	swait.ge [sflag:s22], s20  }
0x9f: {  	s3 =	ssub.s32 $0x0, s20;
	[sflag:s22] =	ssyncset.done $0x0  }
0xa0: {  	[sflag:s22] =	ssyncadd.s32 s3;
	_ =	sdelay $0x1  }
0xa1: {  	s23 =	simm.s32 $0x1B8B  }
0xa2: {  	_ =	swait.ge [sflag:s23], $0x1  }
0xa3: {  	[sflag:s23] =	ssyncset.done $0x0  }
0xa4: {  	s25 =	simm.s32 $0x1B8E;
	s24 =	sld [smem:$0x3FFE];
	[sflag:s23] =	ssyncadd.s32 $0xFFFFFFFF  }
0xa5: {  	s26 =	simm.s32 $execute0_lowered;
	[smem:$0x3FD2] =	sst s25  }
0xa6: {  	s4 =	sshll.u32 s26, $0x1;
	_ =	strace $0x80000046;
	[dreg:$0x1] =	wrdreg $0xFFFFFFFF  }
0xa7: {  	s28 =	simm.s32 $_size_execute0_lowered;
	s2 =	sadd.s32 s2, s4;
	[dreg:$0x0] =	wrdreg $0x0  }
0xa8: {  	s4 =	sshll.u32 s28, $0x1;
	[dreg:$0x2] =	wrdreg s2  }
0xa9: {  	[dreg:$0x3] =	wrdreg s4  }
0xaa: {  	[dreg:$0x4] =	wrdreg $0xC0  }
0xab: {  	_ =	task [dreg:s6], $0x5FFFF  }
0xac: {  	[dreg:$0x1] =	wrdreg $0xFFFFFFFF  }
0xad: {  	[dreg:$0x0] =	wrdreg $0x60  }
0xae: {  	[dreg:$0x2] =	wrdreg s24  }
0xaf: {  	[dreg:$0x3] =	wrdreg $0x9  }
0xb0: {  	_ =	task.clear_ibuf [dreg:s6], $0x4FFFF;
	_ =	strace $0x90000046  }
0xb1: {  	s29 =	simm.s32 $0x9;
	_ =	strace $0x80000048  }
0xb2: {  	_ =	swait.ge [sflag:s29], $0x1  }
0xb3: {  	[sflag:s29] =	ssyncadd.s32 $0xFFFFFFFF  }
0xb4: {  	_ =	strace $0x90000048  }
0xb5: {  	_ =	sfence  }
0xb6: {  	s30 =	sld [smem:$0x0];
	_ =	sdelay $0x2  }
0xb7: {  	s31 =	sshll.u32 s1, $0xD;
	s1 =	sshrl.u32 s1, $0x2  }
0xb8: {  	s3 =	sand.u32 $0x4000, s31;
	s1 =	sadd.s32 s1, s30  }
0xb9: {  	s0 =	sor.u32 s3, s0;
	s1 =	sshll.u32 s1, $0x11  }
0xba: {  	s0 =	sor.u32 s1, s0  }
0xbb: {  	s0 =	sadd.s32 $0x8F2B, s0  }
0xbc: {  	[sflag:s0] =	ssyncadd.remote.s32 $0x1  }
0xbd: {  	_ =	sfence.sel $0xFFFF  }
0xbe: {  	[dreg:$0x0] =	wrdreg $0xFFFFFFFF;
	(pc) =	sbr.abs _section_cstart, $3  }
0xbf: {  	[dreg:$0x1] =	wrdreg $0xFFFFFFFF  }
0xc0: {  	_ =	task.clear_ibuf [dreg:s6], $0x2FFFF;
	_ =	strace $0x9FFFFFFF  }
0xc1: {  	(tm) =	ssettm $0x7FFFFFFF  }
tec
execute0_lowered:
.L_overlay_start_1:
0x0: {  	(tag) =	ssettag $0x1  }
0x1: {  	s0 =	rddreg [dreg:$0x0];
	s1 =	srdreg.scid  }
0x2: {  	s4 =	stileid.u32;
	s2 =	simm.s32 $0x0;
	s12 =	simm.s32 $0x1000  }
0x3: {  	s13 =	simm.s32 $0x1080;
	s17 =	simm.s32 $0x0;
	s28 =	simm.s32 $0x5900  }
0x4: {  	s29 =	simm.s32 $0x6100;
	s30 =	simm.s32 $0x6900;
	s31 =	simm.s32 $0x7100  }
0x5: {  	s15 =	simm.s32 $0xA100;
	s16 =	simm.s32 $0xB100;
	s14 =	simm.s32 $0xB900  }
0x6: {  	s3 =	sand.u32 $0x1, s1;
	s21 =	sshll.u32 s4, $0x9;
	[smem:$0x7FF] =	sst s2  }
0x7: {  	s5 =	sadd.s32 $0x34000, s0;
	s23 =	sadd.s32 $0x34200, s0;
	s8 =	sadd.s32 $0x34400, s0  }
0x8: {  	s1 =	simm.s32 $0x2;
	_ =	strace $0x80000047;
	[dreg:$0x2] =	wrdreg s5  }
0x9: {  	s22 =	sshll.u32 s3, $0x8;
	[dreg:$0x3] =	wrdreg s23;
	s5 =	sadd.s32 $0x4000, s0  }
0xa: {  	s3 =	ssub.s32 $0x2, s3;
	s23 =	simm.s32 $0x3900;
	s10 =	sor.u32 s22, s21  }
0xb: {  	s7 =	sshrl.u32 s3, $0x1;
	s21 =	simm.s32 $0x2900;
	s4 =	sshrl.u32 s10, $0x3  }
0xc: {  	s22 =	simm.s32 $0x3100;
	s3 =	ssub.s32 s3, s7;
	s6 =	smul.u32 $0x1800, s4  }
0xd: {  	s7 =	sadd.s32 $0x4200, s0;
	s4 =	smul.u32 $0x300, s4;
	s26 =	smax.u32 s3, $0x1  }
0xe: {  	v0 =	vmov s10;
	s10 =	simm.s32 $0xC100;
	[dreg:$0x6] =	wrdreg s26;
	s26 =	simm.s32 $0x5100  }
0xf: {  	s9 =	sshrl.u32 s6, $0x3;
	s6 =	sadd.s32 $0x4100, s0;
	s24 =	sadd.s32 s8, s4  }
0x10: {  	v1 =	vlaneseq.u32;
	s4 =	simm.s32 $0x9100;
	s9 =	sadd.s32 s8, s9;
	[dreg:$0x4] =	wrdreg s24  }
0x11: {  	v2 =	vimm.s32 $0x0;
	vm0 =	vmmov $0xffff;
	v4 =	vshrl.u32 v1, $0x3;
	s24 =	simm.s32 $0x4100;
	s8 =	simm.s32 $0x9900;
	s25 =	sadd.s32 $0x3000, s9  }
0x12: {  	v3 =	vand.u32 $0x7, v1;
	v5 =	vor.u32 $0x8, v1;
	v4 =	vmul.u32 $0x8, v4;
	s9 =	simm.s32 $0xA900;
	[dreg:$0x5] =	wrdreg s25;
	s25 =	simm.s32 $0x4900  }
.LBB2_1:
0x13: {  	s18 =	rddreg [dreg:$0x2]  }
0x14: {  	[tilespmem:s2], [sflag:$0x2] =	stream.linear.gather [hbm4b:s18+s2], $0x800, $0x38;
	[tilespmem:$0x19100] =	vst v63  }
0x15: {  	_ =	swait.ge [sflag:s1], $0x800  }
0x16: {  	[sflag:s1] =	ssyncset.done $0x0  }
0x17: {  	s18 =	simm.s32 $0x800;
	s19 =	rddreg [dreg:$0x3];
	[sflag:s1] =	ssyncadd.s32 $0xFFFFF800  }
0x18: {  	[tilespmem:s18], [sflag:$0x2] =	stream.linear.gather [hbm4b:s19+s2], $0x800, $0x38;
	[tilespmem:$0x19100] =	vst v63  }
0x19: {  	_ =	swait.ge [sflag:s1], $0x800  }
0x1a: {  	[sflag:s1] =	ssyncset.done $0x0  }
0x1b: {  	[sflag:s1] =	ssyncadd.s32 $0xFFFFF800  }
0x1c: {  	[tilespmem:$0x1000] =	vst v2  }
0x1d: {  	[tilespmem:$0x1080] =	vst v2  }
0x1e: {  	[tilespmem:$0x1010] =	vst v2  }
0x1f: {  	[tilespmem:$0x1090] =	vst v2  }
0x20: {  	[tilespmem:$0x1020] =	vst v2  }
0x21: {  	[tilespmem:$0x10A0] =	vst v2  }
0x22: {  	[tilespmem:$0x1030] =	vst v2  }
0x23: {  	[tilespmem:$0x10B0] =	vst v2  }
0x24: {  	[tilespmem:$0x1040] =	vst v2  }
0x25: {  	[tilespmem:$0x10C0] =	vst v2  }
0x26: {  	[tilespmem:$0x1050] =	vst v2  }
0x27: {  	[tilespmem:$0x10D0] =	vst v2  }
0x28: {  	[tilespmem:$0x1060] =	vst v2  }
0x29: {  	[tilespmem:$0x10E0] =	vst v2  }
0x2a: {  	[tilespmem:$0x1070] =	vst v2  }
0x2b: {  	s20 =	simm.s32 $0x0;
	s19 =	simm.s32 $0x0;
	[tilespmem:$0x10F0] =	vst v2  }
.LBB2_2:
0x2c: {  	v6 =	vld [tilespmem:s19+$0x0];
	_ =	sdelay $0x4  }
0x2d: {  	v6 =	vsub.s32 v6, v0  }
0x2e: {  	vm1 =	vlt.u32 v6, $0x80;
	vm2 =	vgt.s32 v6, $0x0;
	v7 =	vadd.s32 $0xFFFFFF80, v6  }
0x2f: {  	v8 =	vnsel vm2, $0x0, v6;
	v6 =	vand.u32 $0xFFFFFF80, v6;
	vm2 =	vgt.s32 v7, $0x0  }
0x30: {  	v8 =	vmin.u32 v8, $0x7F;
	v7 =	vnsel vm2, $0x0, v7;
	vm2 =	veq.s32 v6, $0x80  }
0x31: {  	v6 =	vmin.u32 v7, $0x7F;
	_ =	sdelay $0x2  }
0x32: {  	v7 =	vor.u32 s20, v1  }
0x33: {  	[tilespmem:v8+s12+$0x0] =	vst.idx.msk vm1, v7  }
0x34: {  	[tilespmem:v6+s13+$0x0] =	vst.idx.msk vm2, v7  }
0x35: {  	v6 =	vld [tilespmem:s18+$0x0];
	_ =	sdelay $0x4  }
0x36: {  	v6 =	vsub.s32 v6, v0  }
0x37: {  	vm1 =	vlt.u32 v6, $0x80;
	vm2 =	vgt.s32 v6, $0x0;
	v63 =	vadd.s32 $0xFFFFFF80, v6  }
0x38: {  	v9 =	vnsel vm2, $0x0, v6;
	v6 =	vand.u32 $0xFFFFFF80, v6;
	vm2 =	vgt.s32 v63, $0x0  }
0x39: {  	v8 =	vnsel vm2, $0x0, v63;
	vm2 =	veq.s32 v6, $0x80;
	v6 =	vmin.u32 v9, $0x7F  }
0x3a: {  	p0 =	sne.s32 s20, $0x7F0;
	v8 =	vmin.u32 v8, $0x7F  }
.Ltmp0:
0x3b: {  	_ = 	snop;
	(pc) =	sbr.rel @p0 .LBB2_2-.Ltmp0, $3  }
0x3c: {  	_ =	sdelay $0x1  }
0x3d: {  	[tilespmem:v6+s12+$0x0] =	vst.idx.msk vm1, v7  }
0x3e: {  	s19 =	sadd.s32 $0x10, s19;
	s20 =	sadd.s32 $0x10, s20;
	s18 =	sadd.s32 $0x10, s18;
	[tilespmem:v8+s13+$0x0] =	vst.idx.msk vm2, v7  }
0x3f: {  	v6 =	vld [tilespmem:$0x1000];
	_ =	sdelay $0x4  }
0x40: {  	v7 =	vshrl.u32 v6, $0x3  }
0x41: {  	v7 =	vmul.u32 $0x30, v7  }
0x42: {  	v6 =	vand.u32 $0x7, v6  }
0x43: {  	v6 =	vor.u32 v6, v7  }
0x44: {  	v7 =	vperm.xlane v6, v3;
	_ =	sdelay $0x1  }
0x45: {  	v7 =	vadd.s32 v4, v7;
	_ =	sdelay $0x3  }
0x46: {  	s0 =	simm.s32 $0x1100;
	v6 =	vperm.xlane v6, v5  }
0x47: {  	[tilespmem:s0], [sflag:$0x1] =	stream.indirect_vreg.gather [hbm4b:s5+s2], $0x80, v7, vm0, $0xb8;
	[tilespmem:$0x19100] =	vst v63  }
0x48: {  	s19 =	simm.s32 $0x1900;
	v6 =	vadd.s32 v4, v6  }
0x49: {  	[tilespmem:s19], [sflag:$0x1] =	stream.indirect_vreg.gather [hbm4b:s6+s2], $0x80, v7, vm0, $0xb8;
	[tilespmem:$0x19100] =	vst v63  }
0x4a: {  	s20 =	simm.s32 $0x2100  }
0x4b: {  	[tilespmem:s20], [sflag:$0x1] =	stream.indirect_vreg.gather [hbm4b:s7+s2], $0x80, v7, vm0, $0xb8;
	[tilespmem:$0x19100] =	vst v63  }
0x4c: {  	_ = 	snop  }
0x4d: {  	[tilespmem:s21], [sflag:$0x1] =	stream.indirect_vreg.gather [hbm4b:s5+s2], $0x80, v6, vm0, $0xb8;
	[tilespmem:$0x19100] =	vst v63  }
0x4e: {  	_ = 	snop  }
0x4f: {  	[tilespmem:s22], [sflag:$0x1] =	stream.indirect_vreg.gather [hbm4b:s6+s2], $0x80, v6, vm0, $0xb8;
	[tilespmem:$0x19100] =	vst v63  }
0x50: {  	_ = 	snop  }
0x51: {  	[tilespmem:s23], [sflag:$0x1] =	stream.indirect_vreg.gather [hbm4b:s7+s2], $0x80, v6, vm0, $0xb8;
	[tilespmem:$0x19100] =	vst v63  }
0x52: {  	v6 =	vld [tilespmem:$0x1010];
	_ =	sdelay $0x4  }
0x53: {  	v7 =	vshrl.u32 v6, $0x3  }
0x54: {  	v7 =	vmul.u32 $0x30, v7  }
0x55: {  	v6 =	vand.u32 $0x7, v6  }
0x56: {  	v6 =	vor.u32 v6, v7  }
0x57: {  	v7 =	vperm.xlane v6, v3;
	_ =	sdelay $0x1  }
0x58: {  	v7 =	vadd.s32 v4, v7;
	_ =	sdelay $0x3  }
0x59: {  	v6 =	vperm.xlane v6, v5  }
0x5a: {  	[tilespmem:s24], [sflag:$0x1] =	stream.indirect_vreg.gather [hbm4b:s5+s2], $0x80, v7, vm0, $0xb8;
	[tilespmem:$0x19100] =	vst v63  }
0x5b: {  	v6 =	vadd.s32 v4, v6  }
0x5c: {  	[tilespmem:s25], [sflag:$0x1] =	stream.indirect_vreg.gather [hbm4b:s6+s2], $0x80, v7, vm0, $0xb8;
	[tilespmem:$0x19100] =	vst v63  }
0x5d: {  	_ = 	snop  }
0x5e: {  	[tilespmem:s26], [sflag:$0x1] =	stream.indirect_vreg.gather [hbm4b:s7+s2], $0x80, v7, vm0, $0xb8;
	[tilespmem:$0x19100] =	vst v63  }
0x5f: {  	_ = 	snop  }
0x60: {  	[tilespmem:s28], [sflag:$0x1] =	stream.indirect_vreg.gather [hbm4b:s5+s2], $0x80, v6, vm0, $0xb8;
	[tilespmem:$0x19100] =	vst v63  }
0x61: {  	_ = 	snop  }
0x62: {  	[tilespmem:s29], [sflag:$0x1] =	stream.indirect_vreg.gather [hbm4b:s6+s2], $0x80, v6, vm0, $0xb8;
	[tilespmem:$0x19100] =	vst v63  }
0x63: {  	_ = 	snop  }
0x64: {  	[tilespmem:s30], [sflag:$0x1] =	stream.indirect_vreg.gather [hbm4b:s7+s2], $0x80, v6, vm0, $0xb8;
	[tilespmem:$0x19100] =	vst v63  }
0x65: {  	v6 =	vld [tilespmem:$0x1020];
	_ =	sdelay $0x4  }
0x66: {  	v7 =	vshrl.u32 v6, $0x3  }
0x67: {  	v7 =	vmul.u32 $0x30, v7  }
0x68: {  	v6 =	vand.u32 $0x7, v6  }
0x69: {  	v6 =	vor.u32 v6, v7  }
0x6a: {  	v7 =	vperm.xlane v6, v3;
	_ =	sdelay $0x1  }
0x6b: {  	v7 =	vadd.s32 v4, v7;
	_ =	sdelay $0x3  }
0x6c: {  	v6 =	vperm.xlane v6, v5  }
0x6d: {  	[tilespmem:s31], [sflag:$0x1] =	stream.indirect_vreg.gather [hbm4b:s5+s2], $0x80, v7, vm0, $0xb8;
	[tilespmem:$0x19100] =	vst v63  }
0x6e: {  	s18 =	simm.s32 $0x7900;
	v6 =	vadd.s32 v4, v6  }
0x6f: {  	[tilespmem:s18], [sflag:$0x1] =	stream.indirect_vreg.gather [hbm4b:s6+s2], $0x80, v7, vm0, $0xb8;
	[tilespmem:$0x19100] =	vst v63  }
0x70: {  	s3 =	simm.s32 $0x8100  }
0x71: {  	[tilespmem:s3], [sflag:$0x1] =	stream.indirect_vreg.gather [hbm4b:s7+s2], $0x80, v7, vm0, $0xb8;
	[tilespmem:$0x19100] =	vst v63  }
0x72: {  	s3 =	simm.s32 $0x8900  }
0x73: {  	[tilespmem:s3], [sflag:$0x1] =	stream.indirect_vreg.gather [hbm4b:s5+s2], $0x80, v6, vm0, $0xb8;
	[tilespmem:$0x19100] =	vst v63  }
0x74: {  	_ = 	snop  }
0x75: {  	[tilespmem:s4], [sflag:$0x1] =	stream.indirect_vreg.gather [hbm4b:s6+s2], $0x80, v6, vm0, $0xb8;
	[tilespmem:$0x19100] =	vst v63  }
0x76: {  	_ = 	snop  }
0x77: {  	[tilespmem:s8], [sflag:$0x1] =	stream.indirect_vreg.gather [hbm4b:s7+s2], $0x80, v6, vm0, $0xb8;
	[tilespmem:$0x19100] =	vst v63  }
0x78: {  	v6 =	vld [tilespmem:$0x1030];
	_ =	sdelay $0x4  }
0x79: {  	v7 =	vshrl.u32 v6, $0x3  }
0x7a: {  	v7 =	vmul.u32 $0x30, v7  }
0x7b: {  	v6 =	vand.u32 $0x7, v6  }
0x7c: {  	v6 =	vor.u32 v6, v7  }
0x7d: {  	v7 =	vperm.xlane v6, v3;
	_ =	sdelay $0x1  }
0x7e: {  	v7 =	vadd.s32 v4, v7;
	_ =	sdelay $0x3  }
0x7f: {  	v6 =	vperm.xlane v6, v5  }
0x80: {  	[tilespmem:s15], [sflag:$0x1] =	stream.indirect_vreg.gather [hbm4b:s5+s2], $0x80, v7, vm0, $0xb8;
	[tilespmem:$0x19100] =	vst v63  }
0x81: {  	v6 =	vadd.s32 v4, v6  }
0x82: {  	[tilespmem:s9], [sflag:$0x1] =	stream.indirect_vreg.gather [hbm4b:s6+s2], $0x80, v7, vm0, $0xb8;
	[tilespmem:$0x19100] =	vst v63  }
0x83: {  	_ = 	snop  }
0x84: {  	[tilespmem:s16], [sflag:$0x1] =	stream.indirect_vreg.gather [hbm4b:s7+s2], $0x80, v7, vm0, $0xb8;
	[tilespmem:$0x19100] =	vst v63  }
0x85: {  	_ = 	snop  }
0x86: {  	[tilespmem:s14], [sflag:$0x1] =	stream.indirect_vreg.gather [hbm4b:s5+s2], $0x80, v6, vm0, $0xb8;
	[tilespmem:$0x19100] =	vst v63  }
0x87: {  	_ = 	snop  }
0x88: {  	[tilespmem:s10], [sflag:$0x1] =	stream.indirect_vreg.gather [hbm4b:s6+s2], $0x80, v6, vm0, $0xb8;
	[tilespmem:$0x19100] =	vst v63  }
0x89: {  	s11 =	simm.s32 $0xC900  }
0x8a: {  	[tilespmem:s11], [sflag:$0x1] =	stream.indirect_vreg.gather [hbm4b:s7+s2], $0x80, v6, vm0, $0xb8;
	[tilespmem:$0x19100] =	vst v63  }
0x8b: {  	v6 =	vld [tilespmem:$0x1040];
	_ =	sdelay $0x4  }
0x8c: {  	v7 =	vshrl.u32 v6, $0x3  }
0x8d: {  	v7 =	vmul.u32 $0x30, v7  }
0x8e: {  	v6 =	vand.u32 $0x7, v6  }
0x8f: {  	v6 =	vor.u32 v6, v7  }
0x90: {  	v7 =	vperm.xlane v6, v3;
	_ =	sdelay $0x1  }
0x91: {  	v7 =	vadd.s32 v4, v7;
	_ =	sdelay $0x3  }
0x92: {  	s18 =	simm.s32 $0xD100;
	v6 =	vperm.xlane v6, v5  }
0x93: {  	[tilespmem:s18], [sflag:$0x1] =	stream.indirect_vreg.gather [hbm4b:s5+s2], $0x80, v7, vm0, $0xb8;
	[tilespmem:$0x19100] =	vst v63  }
0x94: {  	s11 =	simm.s32 $0xD900;
	v6 =	vadd.s32 v4, v6  }
0x95: {  	[tilespmem:s11], [sflag:$0x1] =	stream.indirect_vreg.gather [hbm4b:s6+s2], $0x80, v7, vm0, $0xb8;
	[tilespmem:$0x19100] =	vst v63  }
0x96: {  	s18 =	simm.s32 $0xE100  }
0x97: {  	[tilespmem:s18], [sflag:$0x1] =	stream.indirect_vreg.gather [hbm4b:s7+s2], $0x80, v7, vm0, $0xb8;
	[tilespmem:$0x19100] =	vst v63  }
0x98: {  	s11 =	simm.s32 $0xE900  }
0x99: {  	[tilespmem:s11], [sflag:$0x1] =	stream.indirect_vreg.gather [hbm4b:s5+s2], $0x80, v6, vm0, $0xb8;
	[tilespmem:$0x19100] =	vst v63  }
0x9a: {  	s18 =	simm.s32 $0xF100  }
0x9b: {  	[tilespmem:s18], [sflag:$0x1] =	stream.indirect_vreg.gather [hbm4b:s6+s2], $0x80, v6, vm0, $0xb8;
	[tilespmem:$0x19100] =	vst v63  }
0x9c: {  	s11 =	simm.s32 $0xF900  }
0x9d: {  	[tilespmem:s11], [sflag:$0x1] =	stream.indirect_vreg.gather [hbm4b:s7+s2], $0x80, v6, vm0, $0xb8;
	[tilespmem:$0x19100] =	vst v63  }
0x9e: {  	v6 =	vld [tilespmem:$0x1050];
	_ =	sdelay $0x4  }
0x9f: {  	v7 =	vshrl.u32 v6, $0x3  }
0xa0: {  	v7 =	vmul.u32 $0x30, v7  }
0xa1: {  	v6 =	vand.u32 $0x7, v6  }
0xa2: {  	v6 =	vor.u32 v6, v7  }
0xa3: {  	v7 =	vperm.xlane v6, v3;
	_ =	sdelay $0x1  }
0xa4: {  	v7 =	vadd.s32 v4, v7;
	_ =	sdelay $0x3  }
0xa5: {  	s18 =	simm.s32 $0x10100;
	v6 =	vperm.xlane v6, v5  }
0xa6: {  	[tilespmem:s18], [sflag:$0x1] =	stream.indirect_vreg.gather [hbm4b:s5+s2], $0x80, v7, vm0, $0xb8;
	[tilespmem:$0x19100] =	vst v63  }
0xa7: {  	s11 =	simm.s32 $0x10900;
	v6 =	vadd.s32 v4, v6  }
0xa8: {  	[tilespmem:s11], [sflag:$0x1] =	stream.indirect_vreg.gather [hbm4b:s6+s2], $0x80, v7, vm0, $0xb8;
	[tilespmem:$0x19100] =	vst v63  }
0xa9: {  	s18 =	simm.s32 $0x11100  }
0xaa: {  	[tilespmem:s18], [sflag:$0x1] =	stream.indirect_vreg.gather [hbm4b:s7+s2], $0x80, v7, vm0, $0xb8;
	[tilespmem:$0x19100] =	vst v63  }
0xab: {  	s11 =	simm.s32 $0x11900  }
0xac: {  	[tilespmem:s11], [sflag:$0x1] =	stream.indirect_vreg.gather [hbm4b:s5+s2], $0x80, v6, vm0, $0xb8;
	[tilespmem:$0x19100] =	vst v63  }
0xad: {  	s18 =	simm.s32 $0x12100  }
0xae: {  	[tilespmem:s18], [sflag:$0x1] =	stream.indirect_vreg.gather [hbm4b:s6+s2], $0x80, v6, vm0, $0xb8;
	[tilespmem:$0x19100] =	vst v63  }
0xaf: {  	s11 =	simm.s32 $0x12900  }
0xb0: {  	[tilespmem:s11], [sflag:$0x1] =	stream.indirect_vreg.gather [hbm4b:s7+s2], $0x80, v6, vm0, $0xb8;
	[tilespmem:$0x19100] =	vst v63  }
0xb1: {  	v6 =	vld [tilespmem:$0x1060];
	_ =	sdelay $0x4  }
0xb2: {  	v7 =	vshrl.u32 v6, $0x3  }
0xb3: {  	v7 =	vmul.u32 $0x30, v7  }
0xb4: {  	v6 =	vand.u32 $0x7, v6  }
0xb5: {  	v6 =	vor.u32 v6, v7  }
0xb6: {  	v7 =	vperm.xlane v6, v3;
	_ =	sdelay $0x1  }
0xb7: {  	v7 =	vadd.s32 v4, v7;
	_ =	sdelay $0x3  }
0xb8: {  	s18 =	simm.s32 $0x13100;
	v6 =	vperm.xlane v6, v5  }
0xb9: {  	[tilespmem:s18], [sflag:$0x1] =	stream.indirect_vreg.gather [hbm4b:s5+s2], $0x80, v7, vm0, $0xb8;
	[tilespmem:$0x19100] =	vst v63  }
0xba: {  	s11 =	simm.s32 $0x13900;
	v6 =	vadd.s32 v4, v6  }
0xbb: {  	[tilespmem:s11], [sflag:$0x1] =	stream.indirect_vreg.gather [hbm4b:s6+s2], $0x80, v7, vm0, $0xb8;
	[tilespmem:$0x19100] =	vst v63  }
0xbc: {  	s18 =	simm.s32 $0x14100  }
0xbd: {  	[tilespmem:s18], [sflag:$0x1] =	stream.indirect_vreg.gather [hbm4b:s7+s2], $0x80, v7, vm0, $0xb8;
	[tilespmem:$0x19100] =	vst v63  }
0xbe: {  	s11 =	simm.s32 $0x14900  }
0xbf: {  	[tilespmem:s11], [sflag:$0x1] =	stream.indirect_vreg.gather [hbm4b:s5+s2], $0x80, v6, vm0, $0xb8;
	[tilespmem:$0x19100] =	vst v63  }
0xc0: {  	s18 =	simm.s32 $0x15100  }
0xc1: {  	[tilespmem:s18], [sflag:$0x1] =	stream.indirect_vreg.gather [hbm4b:s6+s2], $0x80, v6, vm0, $0xb8;
	[tilespmem:$0x19100] =	vst v63  }
0xc2: {  	s11 =	simm.s32 $0x15900  }
0xc3: {  	[tilespmem:s11], [sflag:$0x1] =	stream.indirect_vreg.gather [hbm4b:s7+s2], $0x80, v6, vm0, $0xb8;
	[tilespmem:$0x19100] =	vst v63  }
0xc4: {  	v6 =	vld [tilespmem:$0x1070];
	_ =	sdelay $0x4  }
0xc5: {  	v7 =	vshrl.u32 v6, $0x3  }
0xc6: {  	v7 =	vmul.u32 $0x30, v7  }
0xc7: {  	v6 =	vand.u32 $0x7, v6  }
0xc8: {  	v6 =	vor.u32 v6, v7  }
0xc9: {  	v7 =	vperm.xlane v6, v3;
	_ =	sdelay $0x1  }
0xca: {  	v7 =	vadd.s32 v4, v7;
	_ =	sdelay $0x3  }
0xcb: {  	s18 =	simm.s32 $0x16100;
	v6 =	vperm.xlane v6, v5  }
0xcc: {  	[tilespmem:s18], [sflag:$0x1] =	stream.indirect_vreg.gather [hbm4b:s5+s2], $0x80, v7, vm0, $0xb8;
	[tilespmem:$0x19100] =	vst v63  }
0xcd: {  	s11 =	simm.s32 $0x16900;
	v6 =	vadd.s32 v4, v6  }
0xce: {  	[tilespmem:s11], [sflag:$0x1] =	stream.indirect_vreg.gather [hbm4b:s6+s2], $0x80, v7, vm0, $0xb8;
	[tilespmem:$0x19100] =	vst v63  }
0xcf: {  	s18 =	simm.s32 $0x17100  }
0xd0: {  	[tilespmem:s18], [sflag:$0x1] =	stream.indirect_vreg.gather [hbm4b:s7+s2], $0x80, v7, vm0, $0xb8;
	[tilespmem:$0x19100] =	vst v63  }
0xd1: {  	s11 =	simm.s32 $0x17900  }
0xd2: {  	[tilespmem:s11], [sflag:$0x1] =	stream.indirect_vreg.gather [hbm4b:s5+s2], $0x80, v6, vm0, $0xb8;
	[tilespmem:$0x19100] =	vst v63  }
0xd3: {  	s18 =	simm.s32 $0x18100  }
0xd4: {  	[tilespmem:s18], [sflag:$0x1] =	stream.indirect_vreg.gather [hbm4b:s6+s2], $0x80, v6, vm0, $0xb8;
	[tilespmem:$0x19100] =	vst v63  }
0xd5: {  	s0 =	simm.s32 $0x1;
	s11 =	simm.s32 $0x18900  }
0xd6: {  	[tilespmem:s11], [sflag:$0x1] =	stream.indirect_vreg.gather [hbm4b:s7+s2], $0x80, v6, vm0, $0xb8;
	[tilespmem:$0x19100] =	vst v63  }
0xd7: {  	_ =	swait.ge [sflag:s0], $0x18000  }
0xd8: {  	[sflag:s0] =	ssyncset.done $0x0  }
0xd9: {  	s11 =	simm.s32 $0x1100;
	s18 =	rddreg [dreg:$0x4];
	[sflag:s0] =	ssyncadd.s32 $0xFFFE8000  }
0xda: {  	[hbm4b:s18+s2] =	stream.linear.scatter [tilespmem:s11], [sflag:$0x2], $0x18000, $0x38;
	[tilespmem:$0x19100] =	vst v63  }
0xdb: {  	_ =	swait.ge [sflag:s1], $0x18000  }
0xdc: {  	[sflag:s1] =	ssyncset.done $0x0  }
0xdd: {  	[sflag:s1] =	ssyncadd.s32 $0xFFFE8000  }
0xde: {  	v6 =	vld [tilespmem:$0x1080];
	_ =	sdelay $0x4  }
0xdf: {  	v7 =	vshrl.u32 v6, $0x3  }
0xe0: {  	v7 =	vmul.u32 $0x30, v7  }
0xe1: {  	v6 =	vand.u32 $0x7, v6  }
0xe2: {  	v6 =	vor.u32 v6, v7  }
0xe3: {  	v7 =	vperm.xlane v6, v3;
	_ =	sdelay $0x1  }
0xe4: {  	v7 =	vadd.s32 v4, v7;
	_ =	sdelay $0x3  }
0xe5: {  	v6 =	vperm.xlane v6, v5  }
0xe6: {  	[tilespmem:s11], [sflag:$0x1] =	stream.indirect_vreg.gather [hbm4b:s5+s2], $0x80, v7, vm0, $0xb8;
	[tilespmem:$0x19100] =	vst v63  }
0xe7: {  	v6 =	vadd.s32 v4, v6  }
0xe8: {  	[tilespmem:s19], [sflag:$0x1] =	stream.indirect_vreg.gather [hbm4b:s6+s2], $0x80, v7, vm0, $0xb8;
	[tilespmem:$0x19100] =	vst v63  }
0xe9: {  	_ = 	snop  }
0xea: {  	[tilespmem:s20], [sflag:$0x1] =	stream.indirect_vreg.gather [hbm4b:s7+s2], $0x80, v7, vm0, $0xb8;
	[tilespmem:$0x19100] =	vst v63  }
0xeb: {  	_ = 	snop  }
0xec: {  	[tilespmem:s21], [sflag:$0x1] =	stream.indirect_vreg.gather [hbm4b:s5+s2], $0x80, v6, vm0, $0xb8;
	[tilespmem:$0x19100] =	vst v63  }
0xed: {  	_ = 	snop  }
0xee: {  	[tilespmem:s22], [sflag:$0x1] =	stream.indirect_vreg.gather [hbm4b:s6+s2], $0x80, v6, vm0, $0xb8;
	[tilespmem:$0x19100] =	vst v63  }
0xef: {  	_ = 	snop  }
0xf0: {  	[tilespmem:s23], [sflag:$0x1] =	stream.indirect_vreg.gather [hbm4b:s7+s2], $0x80, v6, vm0, $0xb8;
	[tilespmem:$0x19100] =	vst v63  }
0xf1: {  	v6 =	vld [tilespmem:$0x1090];
	_ =	sdelay $0x4  }
0xf2: {  	v7 =	vshrl.u32 v6, $0x3  }
0xf3: {  	v7 =	vmul.u32 $0x30, v7  }
0xf4: {  	v6 =	vand.u32 $0x7, v6  }
0xf5: {  	v6 =	vor.u32 v6, v7  }
0xf6: {  	v7 =	vperm.xlane v6, v3;
	_ =	sdelay $0x1  }
0xf7: {  	v7 =	vadd.s32 v4, v7;
	_ =	sdelay $0x3  }
0xf8: {  	v6 =	vperm.xlane v6, v5  }
0xf9: {  	[tilespmem:s24], [sflag:$0x1] =	stream.indirect_vreg.gather [hbm4b:s5+s2], $0x80, v7, vm0, $0xb8;
	[tilespmem:$0x19100] =	vst v63  }
0xfa: {  	v6 =	vadd.s32 v4, v6  }
0xfb: {  	[tilespmem:s25], [sflag:$0x1] =	stream.indirect_vreg.gather [hbm4b:s6+s2], $0x80, v7, vm0, $0xb8;
	[tilespmem:$0x19100] =	vst v63  }
0xfc: {  	_ = 	snop  }
0xfd: {  	[tilespmem:s26], [sflag:$0x1] =	stream.indirect_vreg.gather [hbm4b:s7+s2], $0x80, v7, vm0, $0xb8;
	[tilespmem:$0x19100] =	vst v63  }
0xfe: {  	_ = 	snop  }
0xff: {  	[tilespmem:s28], [sflag:$0x1] =	stream.indirect_vreg.gather [hbm4b:s5+s2], $0x80, v6, vm0, $0xb8;
	[tilespmem:$0x19100] =	vst v63  }
0x100: {  	_ = 	snop  }
0x101: {  	[tilespmem:s29], [sflag:$0x1] =	stream.indirect_vreg.gather [hbm4b:s6+s2], $0x80, v6, vm0, $0xb8;
	[tilespmem:$0x19100] =	vst v63  }
0x102: {  	_ = 	snop  }
0x103: {  	[tilespmem:s30], [sflag:$0x1] =	stream.indirect_vreg.gather [hbm4b:s7+s2], $0x80, v6, vm0, $0xb8;
	[tilespmem:$0x19100] =	vst v63  }
0x104: {  	v6 =	vld [tilespmem:$0x10A0];
	_ =	sdelay $0x4  }
0x105: {  	v7 =	vshrl.u32 v6, $0x3  }
0x106: {  	v7 =	vmul.u32 $0x30, v7  }
0x107: {  	v6 =	vand.u32 $0x7, v6  }
0x108: {  	v6 =	vor.u32 v6, v7  }
0x109: {  	v7 =	vperm.xlane v6, v3;
	_ =	sdelay $0x1  }
0x10a: {  	v7 =	vadd.s32 v4, v7;
	_ =	sdelay $0x3  }
0x10b: {  	v6 =	vperm.xlane v6, v5  }
0x10c: {  	[tilespmem:s31], [sflag:$0x1] =	stream.indirect_vreg.gather [hbm4b:s5+s2], $0x80, v7, vm0, $0xb8;
	[tilespmem:$0x19100] =	vst v63  }
0x10d: {  	s18 =	simm.s32 $0x7900;
	v6 =	vadd.s32 v4, v6  }
0x10e: {  	[tilespmem:s18], [sflag:$0x1] =	stream.indirect_vreg.gather [hbm4b:s6+s2], $0x80, v7, vm0, $0xb8;
	[tilespmem:$0x19100] =	vst v63  }
0x10f: {  	s19 =	simm.s32 $0x8100  }
0x110: {  	[tilespmem:s19], [sflag:$0x1] =	stream.indirect_vreg.gather [hbm4b:s7+s2], $0x80, v7, vm0, $0xb8;
	[tilespmem:$0x19100] =	vst v63  }
0x111: {  	_ = 	snop  }
0x112: {  	[tilespmem:s3], [sflag:$0x1] =	stream.indirect_vreg.gather [hbm4b:s5+s2], $0x80, v6, vm0, $0xb8;
	[tilespmem:$0x19100] =	vst v63  }
0x113: {  	_ = 	snop  }
0x114: {  	[tilespmem:s4], [sflag:$0x1] =	stream.indirect_vreg.gather [hbm4b:s6+s2], $0x80, v6, vm0, $0xb8;
	[tilespmem:$0x19100] =	vst v63  }
0x115: {  	_ = 	snop  }
0x116: {  	[tilespmem:s8], [sflag:$0x1] =	stream.indirect_vreg.gather [hbm4b:s7+s2], $0x80, v6, vm0, $0xb8;
	[tilespmem:$0x19100] =	vst v63  }
0x117: {  	v6 =	vld [tilespmem:$0x10B0];
	_ =	sdelay $0x4  }
0x118: {  	v7 =	vshrl.u32 v6, $0x3  }
0x119: {  	v7 =	vmul.u32 $0x30, v7  }
0x11a: {  	v6 =	vand.u32 $0x7, v6  }
0x11b: {  	v6 =	vor.u32 v6, v7  }
0x11c: {  	v7 =	vperm.xlane v6, v3;
	_ =	sdelay $0x1  }
0x11d: {  	v7 =	vadd.s32 v4, v7;
	_ =	sdelay $0x3  }
0x11e: {  	v6 =	vperm.xlane v6, v5  }
0x11f: {  	[tilespmem:s15], [sflag:$0x1] =	stream.indirect_vreg.gather [hbm4b:s5+s2], $0x80, v7, vm0, $0xb8;
	[tilespmem:$0x19100] =	vst v63  }
0x120: {  	v6 =	vadd.s32 v4, v6  }
0x121: {  	[tilespmem:s9], [sflag:$0x1] =	stream.indirect_vreg.gather [hbm4b:s6+s2], $0x80, v7, vm0, $0xb8;
	[tilespmem:$0x19100] =	vst v63  }
0x122: {  	_ = 	snop  }
0x123: {  	[tilespmem:s16], [sflag:$0x1] =	stream.indirect_vreg.gather [hbm4b:s7+s2], $0x80, v7, vm0, $0xb8;
	[tilespmem:$0x19100] =	vst v63  }
0x124: {  	_ = 	snop  }
0x125: {  	[tilespmem:s14], [sflag:$0x1] =	stream.indirect_vreg.gather [hbm4b:s5+s2], $0x80, v6, vm0, $0xb8;
	[tilespmem:$0x19100] =	vst v63  }
0x126: {  	_ = 	snop  }
0x127: {  	[tilespmem:s10], [sflag:$0x1] =	stream.indirect_vreg.gather [hbm4b:s6+s2], $0x80, v6, vm0, $0xb8;
	[tilespmem:$0x19100] =	vst v63  }
0x128: {  	s20 =	simm.s32 $0xC900  }
0x129: {  	[tilespmem:s20], [sflag:$0x1] =	stream.indirect_vreg.gather [hbm4b:s7+s2], $0x80, v6, vm0, $0xb8;
	[tilespmem:$0x19100] =	vst v63  }
0x12a: {  	v6 =	vld [tilespmem:$0x10C0];
	_ =	sdelay $0x4  }
0x12b: {  	v7 =	vshrl.u32 v6, $0x3  }
0x12c: {  	v7 =	vmul.u32 $0x30, v7  }
0x12d: {  	v6 =	vand.u32 $0x7, v6  }
0x12e: {  	v6 =	vor.u32 v6, v7  }
0x12f: {  	v7 =	vperm.xlane v6, v3;
	_ =	sdelay $0x1  }
0x130: {  	v7 =	vadd.s32 v4, v7;
	_ =	sdelay $0x3  }
0x131: {  	s11 =	simm.s32 $0xD100;
	v6 =	vperm.xlane v6, v5  }
0x132: {  	[tilespmem:s11], [sflag:$0x1] =	stream.indirect_vreg.gather [hbm4b:s5+s2], $0x80, v7, vm0, $0xb8;
	[tilespmem:$0x19100] =	vst v63  }
0x133: {  	s18 =	simm.s32 $0xD900;
	v6 =	vadd.s32 v4, v6  }
0x134: {  	[tilespmem:s18], [sflag:$0x1] =	stream.indirect_vreg.gather [hbm4b:s6+s2], $0x80, v7, vm0, $0xb8;
	[tilespmem:$0x19100] =	vst v63  }
0x135: {  	s19 =	simm.s32 $0xE100  }
0x136: {  	[tilespmem:s19], [sflag:$0x1] =	stream.indirect_vreg.gather [hbm4b:s7+s2], $0x80, v7, vm0, $0xb8;
	[tilespmem:$0x19100] =	vst v63  }
0x137: {  	s20 =	simm.s32 $0xE900  }
0x138: {  	[tilespmem:s20], [sflag:$0x1] =	stream.indirect_vreg.gather [hbm4b:s5+s2], $0x80, v6, vm0, $0xb8;
	[tilespmem:$0x19100] =	vst v63  }
0x139: {  	s11 =	simm.s32 $0xF100  }
0x13a: {  	[tilespmem:s11], [sflag:$0x1] =	stream.indirect_vreg.gather [hbm4b:s6+s2], $0x80, v6, vm0, $0xb8;
	[tilespmem:$0x19100] =	vst v63  }
0x13b: {  	s18 =	simm.s32 $0xF900  }
0x13c: {  	[tilespmem:s18], [sflag:$0x1] =	stream.indirect_vreg.gather [hbm4b:s7+s2], $0x80, v6, vm0, $0xb8;
	[tilespmem:$0x19100] =	vst v63  }
0x13d: {  	v6 =	vld [tilespmem:$0x10D0];
	_ =	sdelay $0x4  }
0x13e: {  	v7 =	vshrl.u32 v6, $0x3  }
0x13f: {  	v7 =	vmul.u32 $0x30, v7  }
0x140: {  	v6 =	vand.u32 $0x7, v6  }
0x141: {  	v6 =	vor.u32 v6, v7  }
0x142: {  	v7 =	vperm.xlane v6, v3;
	_ =	sdelay $0x1  }
0x143: {  	v7 =	vadd.s32 v4, v7;
	_ =	sdelay $0x3  }
0x144: {  	s19 =	simm.s32 $0x10100;
	v6 =	vperm.xlane v6, v5  }
0x145: {  	[tilespmem:s19], [sflag:$0x1] =	stream.indirect_vreg.gather [hbm4b:s5+s2], $0x80, v7, vm0, $0xb8;
	[tilespmem:$0x19100] =	vst v63  }
0x146: {  	s20 =	simm.s32 $0x10900;
	v6 =	vadd.s32 v4, v6  }
0x147: {  	[tilespmem:s20], [sflag:$0x1] =	stream.indirect_vreg.gather [hbm4b:s6+s2], $0x80, v7, vm0, $0xb8;
	[tilespmem:$0x19100] =	vst v63  }
0x148: {  	s11 =	simm.s32 $0x11100  }
0x149: {  	[tilespmem:s11], [sflag:$0x1] =	stream.indirect_vreg.gather [hbm4b:s7+s2], $0x80, v7, vm0, $0xb8;
	[tilespmem:$0x19100] =	vst v63  }
0x14a: {  	s18 =	simm.s32 $0x11900  }
0x14b: {  	[tilespmem:s18], [sflag:$0x1] =	stream.indirect_vreg.gather [hbm4b:s5+s2], $0x80, v6, vm0, $0xb8;
	[tilespmem:$0x19100] =	vst v63  }
0x14c: {  	s19 =	simm.s32 $0x12100  }
0x14d: {  	[tilespmem:s19], [sflag:$0x1] =	stream.indirect_vreg.gather [hbm4b:s6+s2], $0x80, v6, vm0, $0xb8;
	[tilespmem:$0x19100] =	vst v63  }
0x14e: {  	s20 =	simm.s32 $0x12900  }
0x14f: {  	[tilespmem:s20], [sflag:$0x1] =	stream.indirect_vreg.gather [hbm4b:s7+s2], $0x80, v6, vm0, $0xb8;
	[tilespmem:$0x19100] =	vst v63  }
0x150: {  	v6 =	vld [tilespmem:$0x10E0];
	_ =	sdelay $0x4  }
0x151: {  	v7 =	vshrl.u32 v6, $0x3  }
0x152: {  	v7 =	vmul.u32 $0x30, v7  }
0x153: {  	v6 =	vand.u32 $0x7, v6  }
0x154: {  	v6 =	vor.u32 v6, v7  }
0x155: {  	v7 =	vperm.xlane v6, v3;
	_ =	sdelay $0x1  }
0x156: {  	v7 =	vadd.s32 v4, v7;
	_ =	sdelay $0x3  }
0x157: {  	s11 =	simm.s32 $0x13100;
	v6 =	vperm.xlane v6, v5  }
0x158: {  	[tilespmem:s11], [sflag:$0x1] =	stream.indirect_vreg.gather [hbm4b:s5+s2], $0x80, v7, vm0, $0xb8;
	[tilespmem:$0x19100] =	vst v63  }
0x159: {  	s18 =	simm.s32 $0x13900;
	v6 =	vadd.s32 v4, v6  }
0x15a: {  	[tilespmem:s18], [sflag:$0x1] =	stream.indirect_vreg.gather [hbm4b:s6+s2], $0x80, v7, vm0, $0xb8;
	[tilespmem:$0x19100] =	vst v63  }
0x15b: {  	s19 =	simm.s32 $0x14100  }
0x15c: {  	[tilespmem:s19], [sflag:$0x1] =	stream.indirect_vreg.gather [hbm4b:s7+s2], $0x80, v7, vm0, $0xb8;
	[tilespmem:$0x19100] =	vst v63  }
0x15d: {  	s20 =	simm.s32 $0x14900  }
0x15e: {  	[tilespmem:s20], [sflag:$0x1] =	stream.indirect_vreg.gather [hbm4b:s5+s2], $0x80, v6, vm0, $0xb8;
	[tilespmem:$0x19100] =	vst v63  }
0x15f: {  	s11 =	simm.s32 $0x15100  }
0x160: {  	[tilespmem:s11], [sflag:$0x1] =	stream.indirect_vreg.gather [hbm4b:s6+s2], $0x80, v6, vm0, $0xb8;
	[tilespmem:$0x19100] =	vst v63  }
0x161: {  	s18 =	simm.s32 $0x15900  }
0x162: {  	[tilespmem:s18], [sflag:$0x1] =	stream.indirect_vreg.gather [hbm4b:s7+s2], $0x80, v6, vm0, $0xb8;
	[tilespmem:$0x19100] =	vst v63  }
0x163: {  	v6 =	vld [tilespmem:$0x10F0];
	_ =	sdelay $0x4  }
0x164: {  	v7 =	vshrl.u32 v6, $0x3  }
0x165: {  	v7 =	vmul.u32 $0x30, v7  }
0x166: {  	v6 =	vand.u32 $0x7, v6  }
0x167: {  	v6 =	vor.u32 v6, v7  }
0x168: {  	v7 =	vperm.xlane v6, v3;
	_ =	sdelay $0x1  }
0x169: {  	v7 =	vadd.s32 v4, v7;
	_ =	sdelay $0x3  }
0x16a: {  	s19 =	simm.s32 $0x16100;
	v6 =	vperm.xlane v6, v5  }
0x16b: {  	[tilespmem:s19], [sflag:$0x1] =	stream.indirect_vreg.gather [hbm4b:s5+s2], $0x80, v7, vm0, $0xb8;
	[tilespmem:$0x19100] =	vst v63  }
0x16c: {  	s20 =	simm.s32 $0x16900;
	v6 =	vadd.s32 v4, v6  }
0x16d: {  	[tilespmem:s20], [sflag:$0x1] =	stream.indirect_vreg.gather [hbm4b:s6+s2], $0x80, v7, vm0, $0xb8;
	[tilespmem:$0x19100] =	vst v63  }
0x16e: {  	s11 =	simm.s32 $0x17100  }
0x16f: {  	[tilespmem:s11], [sflag:$0x1] =	stream.indirect_vreg.gather [hbm4b:s7+s2], $0x80, v7, vm0, $0xb8;
	[tilespmem:$0x19100] =	vst v63  }
0x170: {  	s18 =	simm.s32 $0x17900  }
0x171: {  	[tilespmem:s18], [sflag:$0x1] =	stream.indirect_vreg.gather [hbm4b:s5+s2], $0x80, v6, vm0, $0xb8;
	[tilespmem:$0x19100] =	vst v63  }
0x172: {  	s19 =	simm.s32 $0x18100  }
0x173: {  	[tilespmem:s19], [sflag:$0x1] =	stream.indirect_vreg.gather [hbm4b:s6+s2], $0x80, v6, vm0, $0xb8;
	[tilespmem:$0x19100] =	vst v63  }
0x174: {  	s20 =	simm.s32 $0x18900  }
0x175: {  	[tilespmem:s20], [sflag:$0x1] =	stream.indirect_vreg.gather [hbm4b:s7+s2], $0x80, v6, vm0, $0xb8;
	[tilespmem:$0x19100] =	vst v63  }
0x176: {  	_ =	swait.ge [sflag:s0], $0x18000  }
0x177: {  	[sflag:s0] =	ssyncset.done $0x0  }
0x178: {  	s19 =	simm.s32 $0x1100;
	s11 =	rddreg [dreg:$0x5];
	[sflag:s0] =	ssyncadd.s32 $0xFFFE8000  }
0x179: {  	[hbm4b:s11+s2] =	stream.linear.scatter [tilespmem:s19], [sflag:$0x2], $0x18000, $0x38;
	[tilespmem:$0x19100] =	vst v63  }
0x17a: {  	_ =	swait.ge [sflag:s1], $0x18000  }
0x17b: {  	s17 =	sadd.s32 $0x1, s17;
	s20 =	rddreg [dreg:$0x6]  }
0x17c: {  	p0 =	sne.s32 s17, s20  }
.Ltmp1:
0x17d: {  	_ = 	snop;
	(pc) =	sbr.rel @p0 .LBB2_1-.Ltmp1, $3  }
0x17e: {  	_ =	sdelay $0x1  }
0x17f: {  	[sflag:s1] =	ssyncset.done $0x0  }
0x180: {  	[sflag:s1] =	ssyncadd.s32 $0xFFFE8000  }
0x181: {  	_ =	sfence.sel $0x180000  }
0x182: {  	[bflag:$0x0] =	sbarrier.arrive $0xFFFF  }
0x183: {  	_ =	strace $0x90000047  }
0x184: {  	s0 =	stileid.u32;
	[bflag:$0x2] =	sbarrier.arrive $0xFFFF  }
0x185: {  	p0 =	sne.s32 s0, $0x0;
	s0 =	rddreg [dreg:$0x1]  }
0x186: {  	s0 =	sadd.s32 @!p0 $0x100000, s0  }
0x187: {  	[sflag:s0] =	ssyncadd.tile.s32 @!p0 $0x1;
	_ =	shalt  }
.Lfunc_end2:
_tile_overlayer_lowered:
.L_overlay_start_2:
0x188: {  	(tag) =	ssettag $0x2  }
0x189: {  	s0 =	rddreg [dreg:$0x0];
	s2 =	stileid.u32  }
0x18a: {  	s1 =	rddreg [dreg:$0x1];
	p0 =	sne.s32 s2, $0x0  }
0x18b: {  	s3 =	rddreg [dreg:$0x2];
	[bflag:$0x3] =	sbarrier.arrive $0xFFFF;
	s2 =	simm.s32 @!p0 $0x1C02  }
0x18c: {  	[timem:s3], [sflag:s2] =	dma.local @!p0 [hbm:s0], s1  }
0x18d: {  	s0 =	simm.s32 @!p0 $0x2  }
0x18e: {  	_ =	swait.ge @!p0 [sflag:s0], s1  }
0x18f: {  	s1 =	ssub.s32 @!p0 $0x0, s1;
	[sflag:s0] =	ssyncset.done @!p0 $0x0  }
0x190: {  	[sflag:s0] =	ssyncadd.s32 @!p0 s1  }
0x191: {  	[bflag:$0x3] =	sbarrier.arrive $0xFFFF  }
0x192: {  	_ =	shalt  }

// kernel: kernel.13.cloned.1.call-start
scs
__scs_entry_jumppad:
0x0: {  	(pc) =	sbr.rel $0x88, $3  }
0x1: {  	(tag) =	ssettag $0x0;
	lr =	simm.s32 $0x1  }
0x2: {  	[smem:$0x3F94] =	sst lr;
	_ =	strace $0xD0000000  }
0x3: {  	_ = 	snop  }
0x4: {  	_ = 	snop  }
0x5: {  	_ = 	snop  }
0x6: {  	_ = 	snop  }
0x7: {  	_ = 	snop  }
__scs_overlays_trampoline_lowered:
0x8: {  	[smem:$0x3FA3] =	sst s0  }
0x9: {  	[smem:$0x3FA4] =	sst s1  }
0xa: {  	[smem:$0x3FA5] =	sst s2  }
0xb: {  	[smem:$0x3FA6] =	sst s3  }
0xc: {  	[smem:$0x3FA7] =	sst s4  }
0xd: {  	[smem:$0x3FA8] =	sst s5  }
0xe: {  	[smem:$0x3FA9] =	sst s6  }
0xf: {  	[smem:$0x3FAA] =	sst s7  }
0x10: {  	[smem:$0x3FAB] =	sst s8  }
0x11: {  	[smem:$0x3FAC] =	sst s9;
	s0 =	simm.s32 @!p0 $0x0  }
0x12: {  	s1 =	sld [smem:$0x3F92];
	s0 =	simm.s32 @p0 $0x1  }
0x13: {  	[smem:$0x3FAD] =	sst s0;
	s0 =	simm.s32 @!p1 $0x0  }
0x14: {  	s2 =	sld [smem:$0x3F91];
	s0 =	simm.s32 @p1 $0x1  }
0x15: {  	[smem:$0x3FAE] =	sst s0;
	s0 =	simm.s32 @!p2 $0x0  }
0x16: {  	s3 =	sld [smem:$0x3FDB];
	s0 =	simm.s32 @p2 $0x1  }
0x17: {  	s4 =	simm.s32 $0x1BF5;
	[smem:$0x3FB0] =	sst s0  }
0x18: {  	s0 =	sld [smem:$0x3F93];
	_ =	swait.ge [sflag:s4], $0x0  }
0x19: {  	s7 =	sld [smem:$0x3F94]  }
0x1a: {  	s8 =	sadd.s32 $0xFFFFE003, lr  }
0x1b: {  	s9 =	sadd.s32 $0xFFFFFEF7, lr;
	s5 =	simm.s32 $0xFFFFFFFF;
	p2 =	slt.u32 s8, $0xFFFFF086  }
0x1c: {  	p1 =	slt.u32 s9, $0xF7A;
	s5 =	simm.s32 @!p2 $0x0  }
0x1d: {  	s5 =	simm.s32 @p1 $0x1;
	p0 =	seq.s32 s7, s2  }
0x1e: {  	s7 =	smul.u32 @!p0 $0xF7A, s2;
	p2 =	seq.s32 @!p0 s5, $0x0  }
0x1f: {  	s9 =	smul.u32 $0xF7A, s1;
	s8 =	simm.s32 @!p0 $0x1BF5;
	p2 =	por !p2, p0  }
0x20: {  	[sflag:s8] =	ssyncset.s32 @!p0 $0xFFFFF086;
	s6 =	sadd.s32 @!p0 s3, s7;
	s7 =	simm.s32 @!p0 $0x108  }
0x21: {  	s3 =	sadd.s32 s3, s9;
	s6 =	sadd.s32 @!p0 $0x88, s6;
	s7 =	simm.s32 @p2 $0x1082  }
0x22: {  	[simem:s7], [sflag:s8] =	dma.local @!p0 [hbm:s6], $0xF7A  }
0x23: {  	s9 =	sor.u32 $0xD0000000, s2;
	s6 =	simm.s32 $0x108;
	_ =	swait.ge @!p0 [sflag:s8], $0x0  }
0x24: {  	s3 =	sadd.s32 $0x88, s3;
	s6 =	simm.s32 @!p1 $0x1082;
	[sflag:s4] =	ssyncset.s32 $0xFFFFF086  }
0x25: {  	[simem:s6], [sflag:s4] =	dma.local [hbm:s3], $0xF7A  }
0x26: {  	[smem:$0x3F94] =	sst s1;
	(tag) =	ssettag s2;
	_ =	strace s9  }
0x27: {  	s1 =	sld [smem:$0x3FA4]  }
0x28: {  	s2 =	sld [smem:$0x3FA5]  }
0x29: {  	s4 =	sld [smem:$0x3FA7]  }
0x2a: {  	p0 =	seq.s32 s5, $0x0;
	s5 =	sld [smem:$0x3FA8]  }
0x2b: {  	s6 =	sld [smem:$0x3FA9]  }
0x2c: {  	s7 =	sld [smem:$0x3FAA]  }
0x2d: {  	s3 =	simm.s32 $0x108;
	s8 =	sld [smem:$0x3FAB]  }
0x2e: {  	s3 =	simm.s32 @!p0 $0x1082;
	s9 =	sld [smem:$0x3FAC]  }
0x2f: {  	lr =	sadd.s32 s0, s3;
	s0 =	sld [smem:$0x3FA3]  }
0x30: {  	s3 =	sld [smem:$0x3FA6]  }
0x31: {  	[smem:$0x3FAF] =	sst s10  }
0x32: {  	s10 =	sld [smem:$0x3FAD];
	_ =	sdelay $0x3  }
0x33: {  	p0 =	seq.s32 s10, $0x1;
	s10 =	sld [smem:$0x3FAF];
	_ =	sdelay $0x3  }
0x34: {  	[smem:$0x3FAF] =	sst s10  }
0x35: {  	s10 =	sld [smem:$0x3FAE];
	_ =	sdelay $0x3  }
0x36: {  	p1 =	seq.s32 s10, $0x1;
	s10 =	sld [smem:$0x3FAF];
	_ =	sdelay $0x3  }
0x37: {  	[smem:$0x3FAF] =	sst s10  }
0x38: {  	s10 =	sld [smem:$0x3FB0]  }
0x39: {  	_ = 	snop;
	(pc) =	sbr.ind lr, $3  }
0x3a: {  	_ = 	snop  }
0x3b: {  	_ = 	snop  }
0x3c: {  	p2 =	seq.s32 s10, $0x1;
	s10 =	sld [smem:$0x3FAF]  }
0x3d: {  	_ =	shalt  }
0x3e: {  	_ =	shalt  }
0x3f: {  	_ =	shalt  }
0x40: {  	_ =	shalt  }
0x41: {  	_ =	shalt  }
0x42: {  	_ =	shalt  }
0x43: {  	_ =	shalt  }
0x44: {  	_ =	shalt  }
0x45: {  	_ =	shalt  }
0x46: {  	_ =	shalt  }
0x47: {  	_ =	shalt  }
0x48: {  	_ =	shalt  }
0x49: {  	_ =	shalt  }
0x4a: {  	_ =	shalt  }
0x4b: {  	_ =	shalt  }
0x4c: {  	_ =	shalt  }
0x4d: {  	_ =	shalt  }
0x4e: {  	_ =	shalt  }
0x4f: {  	_ =	shalt  }
0x50: {  	_ =	shalt  }
0x51: {  	_ =	shalt  }
0x52: {  	_ =	shalt  }
0x53: {  	_ =	shalt  }
0x54: {  	_ =	shalt  }
0x55: {  	_ =	shalt  }
0x56: {  	_ =	shalt  }
0x57: {  	_ =	shalt  }
0x58: {  	_ =	shalt  }
0x59: {  	_ =	shalt  }
0x5a: {  	_ =	shalt  }
0x5b: {  	_ =	shalt  }
0x5c: {  	_ =	shalt  }
0x5d: {  	_ =	shalt  }
0x5e: {  	_ =	shalt  }
0x5f: {  	_ =	shalt  }
0x60: {  	_ =	shalt  }
0x61: {  	_ =	shalt  }
0x62: {  	_ =	shalt  }
0x63: {  	_ =	shalt  }
0x64: {  	_ =	shalt  }
0x65: {  	_ =	shalt  }
0x66: {  	_ =	shalt  }
0x67: {  	_ =	shalt  }
0x68: {  	_ =	shalt  }
0x69: {  	_ =	shalt  }
0x6a: {  	_ =	shalt  }
0x6b: {  	_ =	shalt  }
0x6c: {  	_ =	shalt  }
0x6d: {  	_ =	shalt  }
0x6e: {  	_ =	shalt  }
0x6f: {  	_ =	shalt  }
0x70: {  	_ =	shalt  }
0x71: {  	_ =	shalt  }
0x72: {  	_ =	shalt  }
0x73: {  	_ =	shalt  }
0x74: {  	_ =	shalt  }
0x75: {  	_ =	shalt  }
0x76: {  	_ =	shalt  }
0x77: {  	_ =	shalt  }
0x78: {  	_ =	shalt  }
0x79: {  	_ =	shalt  }
0x7a: {  	_ =	shalt  }
0x7b: {  	_ =	shalt  }
0x7c: {  	_ =	shalt  }
0x7d: {  	_ =	shalt  }
0x7e: {  	_ =	shalt  }
0x7f: {  	_ =	shalt  }
0x80: {  	_ =	shalt  }
0x81: {  	_ =	shalt  }
0x82: {  	_ =	shalt  }
0x83: {  	_ =	shalt  }
0x84: {  	_ =	shalt  }
0x85: {  	_ =	shalt  }
0x86: {  	_ =	shalt  }
0x87: {  	_ =	shalt  }
.Lfunc_end0:
.L_simem_size_0:
called_computation.1_lowered:
.L_overlay_start_0:
0x88: {  	s2 =	sld [smem:$0x3FD9]  }
0x89: {  	s3 =	sld [smem:$0x3FFE];
	_ =	sdelay $0x1  }
0x8a: {  	s1 =	srdreg.scid  }
0x8b: {  	s0 =	sand.u32 $0x1, s1  }
0x8c: {  	s16 =	sshll.u32 s0, $0xA;
	s2 =	sadd.s32 s3, s2  }
0x8d: {  	s2 =	sadd.s32 s2, s16  }
0x8e: {  	[smem:$0x3FBB] =	sst s2  }
0x8f: {  	_ = 	snop  }
0x90: {  	(tm) =	ssettm $0x1  }
0x91: {  	s17 =	sld [smem:$0x3FFB];
	_ =	sdelay $0x3  }
0x92: {  	_ =	strace s17  }
0x93: {  	s2 =	sld [smem:$0x3FFC];
	_ =	sdelay $0x3  }
0x94: {  	_ =	strace s2  }
0x95: {  	s2 =	sld [smem:$0x3FFD];
	_ =	sdelay $0x3  }
0x96: {  	_ =	strace s2  }
0x97: {  	_ =	strace $0x8FFFFFFF  }
0x98: {  	s18 =	sld [smem:$0x3FDB];
	_ =	sdelay $0x1  }
0x99: {  	s19 =	simm.s32 $_scs_section_size  }
0x9a: {  	s4 =	simm.s32 $_size__tile_overlayer_lowered;
	s5 =	simm.s32 $_tile_overlayer_lowered  }
0x9b: {  	s22 =	simm.s32 $0x1BFF;
	s21 =	sshll.u32 s5, $0x1;
	s2 =	sadd.s32 s19, s18  }
0x9c: {  	s6 =	simm.s32 $0x0;
	s20 =	sshll.u32 s4, $0x1;
	s4 =	sadd.s32 s21, s2  }
0x9d: {  	[timem:s6], [sflag:s22] =	dma.local [hbm:s4], s20  }
0x9e: {  	_ =	swait.ge [sflag:s22], s20  }
0x9f: {  	s3 =	ssub.s32 $0x0, s20;
	[sflag:s22] =	ssyncset.done $0x0  }
0xa0: {  	[sflag:s22] =	ssyncadd.s32 s3;
	_ =	sdelay $0x1  }
0xa1: {  	s23 =	simm.s32 $0x1B8B  }
0xa2: {  	_ =	swait.ge [sflag:s23], $0x1  }
0xa3: {  	[sflag:s23] =	ssyncset.done $0x0  }
0xa4: {  	s25 =	simm.s32 $0x1B8E;
	s24 =	sld [smem:$0x3FFE];
	[sflag:s23] =	ssyncadd.s32 $0xFFFFFFFF  }
0xa5: {  	s26 =	simm.s32 $execute0_lowered;
	[smem:$0x3FD2] =	sst s25  }
0xa6: {  	s4 =	sshll.u32 s26, $0x1;
	_ =	strace $0x80000049;
	[dreg:$0x1] =	wrdreg $0xFFFFFFFF  }
0xa7: {  	s28 =	simm.s32 $_size_execute0_lowered;
	s2 =	sadd.s32 s2, s4;
	[dreg:$0x0] =	wrdreg $0x0  }
0xa8: {  	s4 =	sshll.u32 s28, $0x1;
	[dreg:$0x2] =	wrdreg s2  }
0xa9: {  	[dreg:$0x3] =	wrdreg s4  }
0xaa: {  	[dreg:$0x4] =	wrdreg $0xC0  }
0xab: {  	_ =	task [dreg:s6], $0x5FFFF  }
0xac: {  	[dreg:$0x1] =	wrdreg $0xFFFFFFFF  }
0xad: {  	[dreg:$0x0] =	wrdreg $0x60  }
0xae: {  	[dreg:$0x2] =	wrdreg s24  }
0xaf: {  	[dreg:$0x3] =	wrdreg $0x9  }
0xb0: {  	_ =	task.clear_ibuf [dreg:s6], $0x4FFFF;
	_ =	strace $0x90000049  }
0xb1: {  	s29 =	simm.s32 $0x9;
	_ =	strace $0x8000004B  }
0xb2: {  	_ =	swait.ge [sflag:s29], $0x1  }
0xb3: {  	[sflag:s29] =	ssyncadd.s32 $0xFFFFFFFF  }
0xb4: {  	_ =	strace $0x9000004B  }
0xb5: {  	_ =	sfence  }
0xb6: {  	s30 =	sld [smem:$0x0];
	_ =	sdelay $0x2  }
0xb7: {  	s31 =	sshll.u32 s1, $0xD;
	s1 =	sshrl.u32 s1, $0x2  }
0xb8: {  	s3 =	sand.u32 $0x4000, s31;
	s1 =	sadd.s32 s1, s30  }
0xb9: {  	s0 =	sor.u32 s3, s0;
	s1 =	sshll.u32 s1, $0x11  }
0xba: {  	s0 =	sor.u32 s1, s0  }
0xbb: {  	s0 =	sadd.s32 $0x8F2B, s0  }
0xbc: {  	[sflag:s0] =	ssyncadd.remote.s32 $0x1  }
0xbd: {  	_ =	sfence.sel $0xFFFF  }
0xbe: {  	[dreg:$0x0] =	wrdreg $0xFFFFFFFF;
	(pc) =	sbr.abs _section_cstart, $3  }
0xbf: {  	[dreg:$0x1] =	wrdreg $0xFFFFFFFF  }
0xc0: {  	_ =	task.clear_ibuf [dreg:s6], $0x2FFFF;
	_ =	strace $0x9FFFFFFF  }
0xc1: {  	(tm) =	ssettm $0x7FFFFFFF  }
tec
execute0_lowered:
.L_overlay_start_1:
0x0: {  	(tag) =	ssettag $0x1  }
0x1: {  	s1 =	srdreg.scid  }
0x2: {  	s0 =	stileid.u32;
	s1 =	sand.u32 $0x1, s1  }
0x3: {  	s2 =	sshll.u32 s0, $0x5;
	s3 =	sshll.u32 s1, $0x4  }
0x4: {  	s5 =	rddreg [dreg:$0x0];
	s3 =	sor.u32 s3, s2;
	s2 =	simm.s32 $0x0  }
0x5: {  	s26 =	simm.s32 $0x880;
	[smem:$0x7FF] =	sst s2  }
0x6: {  	s0 =	simm.s32 $0x1080;
	_ =	strace $0x8000004A;
	[dreg:$0x4] =	wrdreg s26  }
0x7: {  	s6 =	simm.s32 $0x2080;
	[dreg:$0x5] =	wrdreg s0  }
0x8: {  	s7 =	simm.s32 $0x2880;
	[dreg:$0x7] =	wrdreg s6  }
0x9: {  	s8 =	simm.s32 $0x3080;
	[dreg:$0x8] =	wrdreg s7  }
0xa: {  	s9 =	simm.s32 $0x3880;
	[dreg:$0x9] =	wrdreg s8  }
0xb: {  	s10 =	simm.s32 $0x4080;
	[dreg:$0xa] =	wrdreg s9  }
0xc: {  	s11 =	simm.s32 $0x4880;
	[dreg:$0xb] =	wrdreg s10  }
0xd: {  	s12 =	simm.s32 $0x5080;
	[dreg:$0xc] =	wrdreg s11  }
0xe: {  	s13 =	simm.s32 $0x5880;
	[dreg:$0xd] =	wrdreg s12  }
0xf: {  	s14 =	simm.s32 $0x6080;
	[dreg:$0xe] =	wrdreg s13  }
0x10: {  	s15 =	simm.s32 $0x6880;
	[dreg:$0xf] =	wrdreg s14  }
0x11: {  	s16 =	simm.s32 $0x7080;
	[dreg:$0x10] =	wrdreg s15  }
0x12: {  	s17 =	simm.s32 $0x7880;
	s18 =	simm.s32 $0x8080;
	[dreg:$0x11] =	wrdreg s16  }
0x13: {  	s19 =	simm.s32 $0x8880;
	s20 =	simm.s32 $0x9080;
	[dreg:$0x12] =	wrdreg s17  }
0x14: {  	s21 =	simm.s32 $0x9880;
	s22 =	simm.s32 $0xA080;
	[dreg:$0x13] =	wrdreg s18  }
0x15: {  	s23 =	simm.s32 $0xA880;
	s24 =	simm.s32 $0xB880;
	[dreg:$0x14] =	wrdreg s19  }
0x16: {  	s28 =	simm.s32 $0x16080;
	s29 =	simm.s32 $0x16880;
	[dreg:$0x15] =	wrdreg s20  }
0x17: {  	s30 =	simm.s32 $0x17080;
	s31 =	simm.s32 $0x17880;
	[dreg:$0x16] =	wrdreg s21  }
0x18: {  	s4 =	smul.u32 $0x300, s3;
	s3 =	sadd.s32 s3, s5;
	[dreg:$0x17] =	wrdreg s22  }
0x19: {  	s1 =	ssub.s32 $0x2, s1;
	s3 =	sadd.s32 $0xF4400, s3;
	[dreg:$0x18] =	wrdreg s23  }
0x1a: {  	s6 =	sshrl.u32 s1, $0x1;
	s7 =	simm.s32 $0xB080;
	[dreg:$0x1a] =	wrdreg s24  }
0x1b: {  	s8 =	simm.s32 $0x80;
	s26 =	simm.s32 $0xC880;
	s10 =	simm.s32 $0xD880  }
0x1c: {  	s11 =	simm.s32 $0xE080;
	s12 =	simm.s32 $0xE880;
	s13 =	simm.s32 $0xF080  }
0x1d: {  	s14 =	simm.s32 $0xF880;
	s15 =	simm.s32 $0x10080;
	s16 =	simm.s32 $0x10880  }
0x1e: {  	s17 =	simm.s32 $0x11080;
	s18 =	simm.s32 $0x11880;
	s19 =	simm.s32 $0x12080  }
0x1f: {  	s20 =	simm.s32 $0x12880;
	s21 =	simm.s32 $0x13080;
	s22 =	simm.s32 $0x13880  }
0x20: {  	s23 =	simm.s32 $0x14080;
	s24 =	simm.s32 $0x14880;
	[dreg:$0x2] =	wrdreg s3  }
0x21: {  	s4 =	sadd.s32 s4, s5;
	s3 =	sadd.s32 $0xF4600, s5;
	[dreg:$0x19] =	wrdreg s7  }
0x22: {  	s1 =	ssub.s32 s1, s6;
	s7 =	simm.s32 $0x2;
	[dreg:$0x1c] =	wrdreg s26  }
0x23: {  	s26 =	simm.s32 $0x15880;
	s25 =	sadd.s32 $0x4000, s4;
	s4 =	simm.s32 $0x1880  }
0x24: {  	v2 =	vlaneseq.u32;
	s6 =	smax.u32 s1, $0x1;
	s1 =	simm.s32 $0x1;
	[dreg:$0x3] =	wrdreg s25  }
0x25: {  	vm0 =	vmmov $0xffff;
	v1 =	vshrl.u32 v2, $0x3;
	[dreg:$0x6] =	wrdreg s4;
	s4 =	sadd.s32 $0xF4700, s5;
	s25 =	simm.s32 $0xC080  }
0x26: {  	v0 =	vand.u32 $0x7, v2;
	v2 =	vor.u32 $0x8, v2;
	v1 =	vmul.u32 $0x8, v1;
	s5 =	sadd.s32 $0xF4800, s5;
	[dreg:$0x1b] =	wrdreg s25;
	s25 =	simm.s32 $0x15080  }
.LBB2_1:
0x27: {  	s0 =	rddreg [dreg:$0x2]  }
0x28: {  	[tilespmem:s2], [sflag:$0x2] =	stream.linear.gather [hbm4b:s0+s2], $0x80, $0x38;
	[tilespmem:$0x18080] =	vst v63  }
0x29: {  	_ =	swait.ge [sflag:s7], $0x80  }
0x2a: {  	[sflag:s7] =	ssyncset.done $0x0  }
0x2b: {  	[sflag:s7] =	ssyncadd.s32 $0xFFFFFF80  }
0x2c: {  	v3 =	vld [tilespmem:$0x0];
	_ =	sdelay $0x4  }
0x2d: {  	v4 =	vshrl.u32 v3, $0x3  }
0x2e: {  	v4 =	vmul.u32 $0x30, v4  }
0x2f: {  	v3 =	vand.u32 $0x7, v3  }
0x30: {  	v3 =	vor.u32 v3, v4  }
0x31: {  	v4 =	vperm.xlane v3, v0;
	_ =	sdelay $0x1  }
0x32: {  	v4 =	vadd.s32 v1, v4;
	_ =	sdelay $0x3  }
0x33: {  	v3 =	vperm.xlane v3, v2  }
0x34: {  	[tilespmem:s8], [sflag:$0x1] =	stream.indirect_vreg.gather [hbm4b:s3+s2], $0x80, v4, vm0, $0xb8;
	[tilespmem:$0x18080] =	vst v63  }
0x35: {  	s0 =	rddreg [dreg:$0x4];
	v3 =	vadd.s32 v1, v3  }
0x36: {  	[tilespmem:s0], [sflag:$0x1] =	stream.indirect_vreg.gather [hbm4b:s4+s2], $0x80, v4, vm0, $0xb8;
	[tilespmem:$0x18080] =	vst v63  }
0x37: {  	s9 =	rddreg [dreg:$0x5]  }
0x38: {  	[tilespmem:s9], [sflag:$0x1] =	stream.indirect_vreg.gather [hbm4b:s5+s2], $0x80, v4, vm0, $0xb8;
	[tilespmem:$0x18080] =	vst v63  }
0x39: {  	s0 =	rddreg [dreg:$0x6]  }
0x3a: {  	[tilespmem:s0], [sflag:$0x1] =	stream.indirect_vreg.gather [hbm4b:s3+s2], $0x80, v3, vm0, $0xb8;
	[tilespmem:$0x18080] =	vst v63  }
0x3b: {  	s9 =	rddreg [dreg:$0x7]  }
0x3c: {  	[tilespmem:s9], [sflag:$0x1] =	stream.indirect_vreg.gather [hbm4b:s4+s2], $0x80, v3, vm0, $0xb8;
	[tilespmem:$0x18080] =	vst v63  }
0x3d: {  	s0 =	rddreg [dreg:$0x8]  }
0x3e: {  	[tilespmem:s0], [sflag:$0x1] =	stream.indirect_vreg.gather [hbm4b:s5+s2], $0x80, v3, vm0, $0xb8;
	[tilespmem:$0x18080] =	vst v63  }
0x3f: {  	v3 =	vld [tilespmem:$0x10];
	_ =	sdelay $0x4  }
0x40: {  	v57 =	vshrl.u32 v3, $0x3  }
0x41: {  	v4 =	vmul.u32 $0x30, v57  }
0x42: {  	v3 =	vand.u32 $0x7, v3  }
0x43: {  	v3 =	vor.u32 v3, v4  }
0x44: {  	v4 =	vperm.xlane v3, v0;
	_ =	sdelay $0x1  }
0x45: {  	v4 =	vadd.s32 v1, v4;
	_ =	sdelay $0x3  }
0x46: {  	s0 =	rddreg [dreg:$0x9];
	v3 =	vperm.xlane v3, v2  }
0x47: {  	[tilespmem:s0], [sflag:$0x1] =	stream.indirect_vreg.gather [hbm4b:s3+s2], $0x80, v4, vm0, $0xb8;
	[tilespmem:$0x18080] =	vst v63  }
0x48: {  	s9 =	rddreg [dreg:$0xa];
	v3 =	vadd.s32 v1, v3  }
0x49: {  	[tilespmem:s9], [sflag:$0x1] =	stream.indirect_vreg.gather [hbm4b:s4+s2], $0x80, v4, vm0, $0xb8;
	[tilespmem:$0x18080] =	vst v63  }
0x4a: {  	s0 =	rddreg [dreg:$0xb]  }
0x4b: {  	[tilespmem:s0], [sflag:$0x1] =	stream.indirect_vreg.gather [hbm4b:s5+s2], $0x80, v4, vm0, $0xb8;
	[tilespmem:$0x18080] =	vst v63  }
0x4c: {  	s9 =	rddreg [dreg:$0xc]  }
0x4d: {  	[tilespmem:s9], [sflag:$0x1] =	stream.indirect_vreg.gather [hbm4b:s3+s2], $0x80, v3, vm0, $0xb8;
	[tilespmem:$0x18080] =	vst v63  }
0x4e: {  	s0 =	rddreg [dreg:$0xd]  }
0x4f: {  	[tilespmem:s0], [sflag:$0x1] =	stream.indirect_vreg.gather [hbm4b:s4+s2], $0x80, v3, vm0, $0xb8;
	[tilespmem:$0x18080] =	vst v63  }
0x50: {  	s9 =	rddreg [dreg:$0xe]  }
0x51: {  	[tilespmem:s9], [sflag:$0x1] =	stream.indirect_vreg.gather [hbm4b:s5+s2], $0x80, v3, vm0, $0xb8;
	[tilespmem:$0x18080] =	vst v63  }
0x52: {  	v3 =	vld [tilespmem:$0x20];
	_ =	sdelay $0x4  }
0x53: {  	v58 =	vshrl.u32 v3, $0x3  }
0x54: {  	v4 =	vmul.u32 $0x30, v58  }
0x55: {  	v3 =	vand.u32 $0x7, v3  }
0x56: {  	v3 =	vor.u32 v3, v4  }
0x57: {  	v4 =	vperm.xlane v3, v0;
	_ =	sdelay $0x1  }
0x58: {  	v4 =	vadd.s32 v1, v4;
	_ =	sdelay $0x3  }
0x59: {  	s0 =	rddreg [dreg:$0xf];
	v3 =	vperm.xlane v3, v2  }
0x5a: {  	[tilespmem:s0], [sflag:$0x1] =	stream.indirect_vreg.gather [hbm4b:s3+s2], $0x80, v4, vm0, $0xb8;
	[tilespmem:$0x18080] =	vst v63  }
0x5b: {  	s9 =	rddreg [dreg:$0x10];
	v3 =	vadd.s32 v1, v3  }
0x5c: {  	[tilespmem:s9], [sflag:$0x1] =	stream.indirect_vreg.gather [hbm4b:s4+s2], $0x80, v4, vm0, $0xb8;
	[tilespmem:$0x18080] =	vst v63  }
0x5d: {  	s0 =	rddreg [dreg:$0x11]  }
0x5e: {  	[tilespmem:s0], [sflag:$0x1] =	stream.indirect_vreg.gather [hbm4b:s5+s2], $0x80, v4, vm0, $0xb8;
	[tilespmem:$0x18080] =	vst v63  }
0x5f: {  	s9 =	rddreg [dreg:$0x12]  }
0x60: {  	[tilespmem:s9], [sflag:$0x1] =	stream.indirect_vreg.gather [hbm4b:s3+s2], $0x80, v3, vm0, $0xb8;
	[tilespmem:$0x18080] =	vst v63  }
0x61: {  	s0 =	rddreg [dreg:$0x13]  }
0x62: {  	[tilespmem:s0], [sflag:$0x1] =	stream.indirect_vreg.gather [hbm4b:s4+s2], $0x80, v3, vm0, $0xb8;
	[tilespmem:$0x18080] =	vst v63  }
0x63: {  	s9 =	rddreg [dreg:$0x14]  }
0x64: {  	[tilespmem:s9], [sflag:$0x1] =	stream.indirect_vreg.gather [hbm4b:s5+s2], $0x80, v3, vm0, $0xb8;
	[tilespmem:$0x18080] =	vst v63  }
0x65: {  	v3 =	vld [tilespmem:$0x30];
	_ =	sdelay $0x4  }
0x66: {  	v59 =	vshrl.u32 v3, $0x3  }
0x67: {  	v4 =	vmul.u32 $0x30, v59  }
0x68: {  	v3 =	vand.u32 $0x7, v3  }
0x69: {  	v3 =	vor.u32 v3, v4  }
0x6a: {  	v4 =	vperm.xlane v3, v0;
	_ =	sdelay $0x1  }
0x6b: {  	v4 =	vadd.s32 v1, v4;
	_ =	sdelay $0x3  }
0x6c: {  	s0 =	rddreg [dreg:$0x15];
	v3 =	vperm.xlane v3, v2  }
0x6d: {  	[tilespmem:s0], [sflag:$0x1] =	stream.indirect_vreg.gather [hbm4b:s3+s2], $0x80, v4, vm0, $0xb8;
	[tilespmem:$0x18080] =	vst v63  }
0x6e: {  	s9 =	rddreg [dreg:$0x16];
	v3 =	vadd.s32 v1, v3  }
0x6f: {  	[tilespmem:s9], [sflag:$0x1] =	stream.indirect_vreg.gather [hbm4b:s4+s2], $0x80, v4, vm0, $0xb8;
	[tilespmem:$0x18080] =	vst v63  }
0x70: {  	s0 =	rddreg [dreg:$0x17]  }
0x71: {  	[tilespmem:s0], [sflag:$0x1] =	stream.indirect_vreg.gather [hbm4b:s5+s2], $0x80, v4, vm0, $0xb8;
	[tilespmem:$0x18080] =	vst v63  }
0x72: {  	s9 =	rddreg [dreg:$0x18]  }
0x73: {  	[tilespmem:s9], [sflag:$0x1] =	stream.indirect_vreg.gather [hbm4b:s3+s2], $0x80, v3, vm0, $0xb8;
	[tilespmem:$0x18080] =	vst v63  }
0x74: {  	s0 =	rddreg [dreg:$0x19]  }
0x75: {  	[tilespmem:s0], [sflag:$0x1] =	stream.indirect_vreg.gather [hbm4b:s4+s2], $0x80, v3, vm0, $0xb8;
	[tilespmem:$0x18080] =	vst v63  }
0x76: {  	s9 =	rddreg [dreg:$0x1a]  }
0x77: {  	[tilespmem:s9], [sflag:$0x1] =	stream.indirect_vreg.gather [hbm4b:s5+s2], $0x80, v3, vm0, $0xb8;
	[tilespmem:$0x18080] =	vst v63  }
0x78: {  	v3 =	vld [tilespmem:$0x40];
	_ =	sdelay $0x4  }
0x79: {  	v60 =	vshrl.u32 v3, $0x3  }
0x7a: {  	v4 =	vmul.u32 $0x30, v60  }
0x7b: {  	v3 =	vand.u32 $0x7, v3  }
0x7c: {  	v3 =	vor.u32 v3, v4  }
0x7d: {  	v4 =	vperm.xlane v3, v0;
	_ =	sdelay $0x1  }
0x7e: {  	v4 =	vadd.s32 v1, v4;
	_ =	sdelay $0x3  }
0x7f: {  	s0 =	rddreg [dreg:$0x1b];
	v3 =	vperm.xlane v3, v2  }
0x80: {  	[tilespmem:s0], [sflag:$0x1] =	stream.indirect_vreg.gather [hbm4b:s3+s2], $0x80, v4, vm0, $0xb8;
	[tilespmem:$0x18080] =	vst v63  }
0x81: {  	s9 =	rddreg [dreg:$0x1c];
	v3 =	vadd.s32 v1, v3  }
0x82: {  	[tilespmem:s9], [sflag:$0x1] =	stream.indirect_vreg.gather [hbm4b:s4+s2], $0x80, v4, vm0, $0xb8;
	[tilespmem:$0x18080] =	vst v63  }
0x83: {  	s9 =	simm.s32 $0xD080  }
0x84: {  	[tilespmem:s9], [sflag:$0x1] =	stream.indirect_vreg.gather [hbm4b:s5+s2], $0x80, v4, vm0, $0xb8;
	[tilespmem:$0x18080] =	vst v63  }
0x85: {  	_ = 	snop  }
0x86: {  	[tilespmem:s10], [sflag:$0x1] =	stream.indirect_vreg.gather [hbm4b:s3+s2], $0x80, v3, vm0, $0xb8;
	[tilespmem:$0x18080] =	vst v63  }
0x87: {  	_ = 	snop  }
0x88: {  	[tilespmem:s11], [sflag:$0x1] =	stream.indirect_vreg.gather [hbm4b:s4+s2], $0x80, v3, vm0, $0xb8;
	[tilespmem:$0x18080] =	vst v63  }
0x89: {  	_ = 	snop  }
0x8a: {  	[tilespmem:s12], [sflag:$0x1] =	stream.indirect_vreg.gather [hbm4b:s5+s2], $0x80, v3, vm0, $0xb8;
	[tilespmem:$0x18080] =	vst v63  }
0x8b: {  	v3 =	vld [tilespmem:$0x50];
	_ =	sdelay $0x4  }
0x8c: {  	v61 =	vshrl.u32 v3, $0x3  }
0x8d: {  	v4 =	vmul.u32 $0x30, v61  }
0x8e: {  	v3 =	vand.u32 $0x7, v3  }
0x8f: {  	v3 =	vor.u32 v3, v4  }
0x90: {  	v4 =	vperm.xlane v3, v0;
	_ =	sdelay $0x1  }
0x91: {  	v4 =	vadd.s32 v1, v4;
	_ =	sdelay $0x3  }
0x92: {  	v3 =	vperm.xlane v3, v2  }
0x93: {  	[tilespmem:s13], [sflag:$0x1] =	stream.indirect_vreg.gather [hbm4b:s3+s2], $0x80, v4, vm0, $0xb8;
	[tilespmem:$0x18080] =	vst v63  }
0x94: {  	v3 =	vadd.s32 v1, v3  }
0x95: {  	[tilespmem:s14], [sflag:$0x1] =	stream.indirect_vreg.gather [hbm4b:s4+s2], $0x80, v4, vm0, $0xb8;
	[tilespmem:$0x18080] =	vst v63  }
0x96: {  	_ = 	snop  }
0x97: {  	[tilespmem:s15], [sflag:$0x1] =	stream.indirect_vreg.gather [hbm4b:s5+s2], $0x80, v4, vm0, $0xb8;
	[tilespmem:$0x18080] =	vst v63  }
0x98: {  	_ = 	snop  }
0x99: {  	[tilespmem:s16], [sflag:$0x1] =	stream.indirect_vreg.gather [hbm4b:s3+s2], $0x80, v3, vm0, $0xb8;
	[tilespmem:$0x18080] =	vst v63  }
0x9a: {  	_ = 	snop  }
0x9b: {  	[tilespmem:s17], [sflag:$0x1] =	stream.indirect_vreg.gather [hbm4b:s4+s2], $0x80, v3, vm0, $0xb8;
	[tilespmem:$0x18080] =	vst v63  }
0x9c: {  	_ = 	snop  }
0x9d: {  	[tilespmem:s18], [sflag:$0x1] =	stream.indirect_vreg.gather [hbm4b:s5+s2], $0x80, v3, vm0, $0xb8;
	[tilespmem:$0x18080] =	vst v63  }
0x9e: {  	v3 =	vld [tilespmem:$0x60];
	_ =	sdelay $0x4  }
0x9f: {  	v62 =	vshrl.u32 v3, $0x3  }
0xa0: {  	v4 =	vmul.u32 $0x30, v62  }
0xa1: {  	v3 =	vand.u32 $0x7, v3  }
0xa2: {  	v3 =	vor.u32 v3, v4  }
0xa3: {  	v4 =	vperm.xlane v3, v0;
	_ =	sdelay $0x1  }
0xa4: {  	v4 =	vadd.s32 v1, v4;
	_ =	sdelay $0x3  }
0xa5: {  	v3 =	vperm.xlane v3, v2  }
0xa6: {  	[tilespmem:s19], [sflag:$0x1] =	stream.indirect_vreg.gather [hbm4b:s3+s2], $0x80, v4, vm0, $0xb8;
	[tilespmem:$0x18080] =	vst v63  }
0xa7: {  	v3 =	vadd.s32 v1, v3  }
0xa8: {  	[tilespmem:s20], [sflag:$0x1] =	stream.indirect_vreg.gather [hbm4b:s4+s2], $0x80, v4, vm0, $0xb8;
	[tilespmem:$0x18080] =	vst v63  }
0xa9: {  	_ = 	snop  }
0xaa: {  	[tilespmem:s21], [sflag:$0x1] =	stream.indirect_vreg.gather [hbm4b:s5+s2], $0x80, v4, vm0, $0xb8;
	[tilespmem:$0x18080] =	vst v63  }
0xab: {  	_ = 	snop  }
0xac: {  	[tilespmem:s22], [sflag:$0x1] =	stream.indirect_vreg.gather [hbm4b:s3+s2], $0x80, v3, vm0, $0xb8;
	[tilespmem:$0x18080] =	vst v63  }
0xad: {  	_ = 	snop  }
0xae: {  	[tilespmem:s23], [sflag:$0x1] =	stream.indirect_vreg.gather [hbm4b:s4+s2], $0x80, v3, vm0, $0xb8;
	[tilespmem:$0x18080] =	vst v63  }
0xaf: {  	_ = 	snop  }
0xb0: {  	[tilespmem:s24], [sflag:$0x1] =	stream.indirect_vreg.gather [hbm4b:s5+s2], $0x80, v3, vm0, $0xb8;
	[tilespmem:$0x18080] =	vst v63  }
0xb1: {  	v3 =	vld [tilespmem:$0x70];
	_ =	sdelay $0x4  }
0xb2: {  	v63 =	vshrl.u32 v3, $0x3  }
0xb3: {  	v4 =	vmul.u32 $0x30, v63  }
0xb4: {  	v3 =	vand.u32 $0x7, v3  }
0xb5: {  	v3 =	vor.u32 v3, v4  }
0xb6: {  	v4 =	vperm.xlane v3, v0;
	_ =	sdelay $0x1  }
0xb7: {  	v4 =	vadd.s32 v1, v4;
	_ =	sdelay $0x3  }
0xb8: {  	v3 =	vperm.xlane v3, v2  }
0xb9: {  	[tilespmem:s25], [sflag:$0x1] =	stream.indirect_vreg.gather [hbm4b:s3+s2], $0x80, v4, vm0, $0xb8;
	[tilespmem:$0x18080] =	vst v63  }
0xba: {  	v3 =	vadd.s32 v1, v3  }
0xbb: {  	[tilespmem:s26], [sflag:$0x1] =	stream.indirect_vreg.gather [hbm4b:s4+s2], $0x80, v4, vm0, $0xb8;
	[tilespmem:$0x18080] =	vst v63  }
0xbc: {  	_ = 	snop  }
0xbd: {  	[tilespmem:s28], [sflag:$0x1] =	stream.indirect_vreg.gather [hbm4b:s5+s2], $0x80, v4, vm0, $0xb8;
	[tilespmem:$0x18080] =	vst v63  }
0xbe: {  	_ = 	snop  }
0xbf: {  	[tilespmem:s29], [sflag:$0x1] =	stream.indirect_vreg.gather [hbm4b:s3+s2], $0x80, v3, vm0, $0xb8;
	[tilespmem:$0x18080] =	vst v63  }
0xc0: {  	_ = 	snop  }
0xc1: {  	[tilespmem:s30], [sflag:$0x1] =	stream.indirect_vreg.gather [hbm4b:s4+s2], $0x80, v3, vm0, $0xb8;
	[tilespmem:$0x18080] =	vst v63  }
0xc2: {  	_ = 	snop  }
0xc3: {  	[tilespmem:s31], [sflag:$0x1] =	stream.indirect_vreg.gather [hbm4b:s5+s2], $0x80, v3, vm0, $0xb8;
	[tilespmem:$0x18080] =	vst v63  }
0xc4: {  	_ =	swait.ge [sflag:s1], $0x18000  }
0xc5: {  	p0 =	sne.s32 s6, $0x1;
	[sflag:s1] =	ssyncset.done $0x0  }
.Ltmp0:
0xc6: {  	s9 =	rddreg [dreg:$0x3];
	[sflag:s1] =	ssyncadd.s32 $0xFFFE8000;
	(pc) =	sbr.rel @p0 .LBB2_1-.Ltmp0, $4  }
0xc7: {  	[hbm4b:s9+s2] =	stream.linear.scatter [tilespmem:s8], [sflag:$0x2], $0x18000, $0x38;
	[tilespmem:$0x18080] =	vst v63  }
0xc8: {  	_ =	swait.ge [sflag:s7], $0x18000  }
0xc9: {  	[sflag:s7] =	ssyncset.done $0x0  }
0xca: {  	s6 =	sadd.s32 $0xFFFFFFFF, s6;
	[sflag:s7] =	ssyncadd.s32 $0xFFFE8000  }
0xcb: {  	_ =	sfence.sel $0x180000  }
0xcc: {  	[bflag:$0x0] =	sbarrier.arrive $0xFFFF  }
0xcd: {  	_ =	strace $0x9000004A  }
0xce: {  	s0 =	stileid.u32;
	[bflag:$0x2] =	sbarrier.arrive $0xFFFF  }
0xcf: {  	p0 =	sne.s32 s0, $0x0;
	s0 =	rddreg [dreg:$0x1]  }
0xd0: {  	s0 =	sadd.s32 @!p0 $0x100000, s0  }
0xd1: {  	[sflag:s0] =	ssyncadd.tile.s32 @!p0 $0x1;
	_ =	shalt  }
.Lfunc_end2:
_tile_overlayer_lowered:
.L_overlay_start_2:
0xd2: {  	(tag) =	ssettag $0x2  }
0xd3: {  	s0 =	rddreg [dreg:$0x0];
	s2 =	stileid.u32  }
0xd4: {  	s1 =	rddreg [dreg:$0x1];
	p0 =	sne.s32 s2, $0x0  }
0xd5: {  	s3 =	rddreg [dreg:$0x2];
	[bflag:$0x3] =	sbarrier.arrive $0xFFFF;
	s2 =	simm.s32 @!p0 $0x1C02  }
0xd6: {  	[timem:s3], [sflag:s2] =	dma.local @!p0 [hbm:s0], s1  }
0xd7: {  	s0 =	simm.s32 @!p0 $0x2  }
0xd8: {  	_ =	swait.ge @!p0 [sflag:s0], s1  }
0xd9: {  	s1 =	ssub.s32 @!p0 $0x0, s1;
	[sflag:s0] =	ssyncset.done @!p0 $0x0  }
0xda: {  	[sflag:s0] =	ssyncadd.s32 @!p0 s1  }
0xdb: {  	[bflag:$0x3] =	sbarrier.arrive $0xFFFF  }
0xdc: {  	_ =	shalt  }

</sc_bundles>
